<compile_context>
chip_gen: v7x
topology: tpu7x:2x2x1
jax: 0.10.2.dev20260603
libtpu: 0.0.44.dev20260713+nightly
codegen_flags: <defaults>
</compile_context>

<pallas_src>
import functools

import jax
import jax.numpy as jnp
from jax import lax
from jax.experimental import pallas as pl
from jax.experimental.pallas import tpu as pltpu
from jax.experimental.pallas import tpu_sc as plsc

_NC = 2
_NS = 16
_NW = _NC * _NS

_BM = 256
_MP = 128


def _routing_kernel(idx_ref, rank_ref, maps_ref, gcum_ref):
    n = idx_ref.shape[0]
    e = gcum_ref.shape[1]
    nb = n // _BM
    ck = 256
    nchunks = n // ck
    flat_col = idx_ref[...]
    erange_row = lax.broadcasted_iota(jnp.int32, (1, e), 1)

    ir = lax.broadcasted_iota(jnp.int32, (ck, ck), 0)
    ic = lax.broadcasted_iota(jnp.int32, (ck, ck), 1)
    ltri = (ir >= ic).astype(jnp.float32)
    h = jnp.zeros((1, e), jnp.int32)
    for r in range(nchunks):
        fc = flat_col[r * ck:(r + 1) * ck]
        oh = (fc == erange_row).astype(jnp.float32)
        cum = jnp.dot(ltri, oh, preferred_element_type=jnp.float32)
        gcum_ref[r * ck:(r + 1) * ck, :] = cum.astype(jnp.int32) + h
        h = h + jnp.sum(oh.astype(jnp.int32), axis=0, keepdims=True)
    counts_row = h

    er_s = lax.broadcasted_iota(jnp.int32, (e, e), 0)
    er_l = lax.broadcasted_iota(jnp.int32, (e, e), 1)
    diag = (er_s == er_l).astype(jnp.int32)
    counts_col = jnp.sum(diag * counts_row, axis=1, keepdims=True)
    offsets_row = jnp.sum((er_s < er_l).astype(jnp.int32) * counts_col,
                          axis=0, keepdims=True)
    offsets_col = jnp.sum((er_l < er_s).astype(jnp.int32) * counts_row,
                          axis=1, keepdims=True)

    add_row = offsets_row - 1
    for r in range(nchunks):
        fc = flat_col[r * ck:(r + 1) * ck]
        ohi = (fc == erange_row).astype(jnp.int32)
        a = gcum_ref[r * ck:(r + 1) * ck, :] + add_row
        rank_ref[r * ck:(r + 1) * ck, :] = jnp.sum(ohi * a, axis=1,
                                                   keepdims=True)

    first_col = offsets_col // _BM
    last_col = (offsets_col + counts_col - 1) // _BM
    t_col = jnp.where(counts_col > 0, last_col - first_col + 1, 0)
    t_row = jnp.sum(diag * t_col, axis=0, keepdims=True)
    tcum_col = jnp.sum((er_l <= er_s).astype(jnp.int32) * t_row,
                       axis=1, keepdims=True)
    p_total = jnp.sum(t_col, keepdims=True)
    p_row = lax.broadcasted_iota(jnp.int32, (1, _MP), 1)
    le = (tcum_col <= p_row).astype(jnp.int32)
    eidx_row = jnp.sum(le, axis=0, keepdims=True)
    e_pad = jnp.sum((tcum_col <= p_total - 1).astype(jnp.int32),
                    axis=0, keepdims=True)
    valid = p_row < p_total
    eidx_row = jnp.where(valid, eidx_row, e_pad)
    erange_col = lax.broadcasted_iota(jnp.int32, (e, 1), 0)
    ohp = (erange_col == eidx_row).astype(jnp.int32)

    def gat(vec_col):
        return jnp.sum(ohp * vec_col, axis=0, keepdims=True)

    t_g = gat(t_col)
    tcum_g = gat(tcum_col)
    first_g = gat(first_col)
    off_g = gat(offsets_col)
    cnt_g = gat(counts_col)
    k = p_row - (tcum_g - t_g)
    blk = jnp.minimum(first_g + k, nb - 1)
    maps_ref[0:1, :] = eidx_row
    maps_ref[1:2, :] = blk
    maps_ref[2:3, :] = jnp.where(valid, off_g, 0)
    maps_ref[3:4, :] = jnp.where(valid, off_g + cnt_g, 0)


def _routing(indices, n, e):
    rank2d, maps = pl.pallas_call(
        _routing_kernel,
        out_shape=(
            jax.ShapeDtypeStruct((n, 1), jnp.int32),
            jax.ShapeDtypeStruct((4, _MP), jnp.int32),
        ),
        scratch_shapes=[pltpu.VMEM((n, e), jnp.int32)],
    )(indices)
    return rank2d.reshape(n), maps


def _sc_scatter_rows(x, rank, n, d):
    b_per_w = n // _NW
    half = b_per_w // 2
    mesh = plsc.VectorSubcoreMesh(core_axis_name="c", subcore_axis_name="s")

    @functools.partial(
        pl.kernel,
        mesh=mesh,
        out_type=jax.ShapeDtypeStruct((n, d), jnp.float32),
        scratch_types=[
            pltpu.VMEM((half,), jnp.int32),
            pltpu.VMEM((half,), jnp.int32),
            pltpu.VMEM((half, d), jnp.float32),
            pltpu.VMEM((half, d), jnp.float32),
            pltpu.SemaphoreType.DMA,
            pltpu.SemaphoreType.DMA,
            pltpu.SemaphoreType.DMA,
            pltpu.SemaphoreType.DMA,
        ],
    )
    def scatter_kernel(x_hbm, rank_hbm, out_hbm, idx0, idx1, rows0, rows1,
                       s0, s1, s2, s3):
        wid = lax.axis_index("s") * _NC + lax.axis_index("c")
        base = wid * b_per_w
        ci0 = pltpu.async_copy(rank_hbm.at[pl.ds(base, half)], idx0, s0)
        cr0 = pltpu.async_copy(x_hbm.at[pl.ds(base, half)], rows0, s1)
        ci1 = pltpu.async_copy(rank_hbm.at[pl.ds(base + half, half)], idx1, s2)
        cr1 = pltpu.async_copy(x_hbm.at[pl.ds(base + half, half)], rows1, s3)
        ci0.wait()
        cr0.wait()
        cs0 = pltpu.async_copy(rows0, out_hbm.at[idx0], s0)
        ci1.wait()
        cr1.wait()
        cs1 = pltpu.async_copy(rows1, out_hbm.at[idx1], s1)
        cs0.wait()
        cs1.wait()

    return scatter_kernel(x, rank)


def _gmm_kernel(m_ref, x_ref, w_ref, b_ref, o_ref):
    s = pl.program_id(0)
    lo = m_ref[2, s]
    hi = m_ref[3, s]
    blk = m_ref[1, s]
    bm = o_ref.shape[0]
    rows = blk * bm + lax.broadcasted_iota(jnp.int32, (bm, 1), 0)
    mask = (rows >= lo) & (rows < hi)
    acc = jnp.dot(x_ref[...], w_ref[0], preferred_element_type=jnp.float32)
    y = jnp.maximum(acc + b_ref[0], 0.0)
    o_ref[...] = jnp.where(mask, y, o_ref[...])


def _grouped_matmul(x_sorted, W, b, maps, maxp):
    n, din = x_sorted.shape
    e, _, dout = W.shape
    grid_spec = pltpu.PrefetchScalarGridSpec(
        num_scalar_prefetch=1,
        grid=(maxp,),
        in_specs=[
            pl.BlockSpec((_BM, din), lambda s, m: (m[1, s], 0)),
            pl.BlockSpec((1, din, dout), lambda s, m: (m[0, s], 0, 0)),
            pl.BlockSpec((1, 1, dout), lambda s, m: (m[0, s], 0, 0)),
        ],
        out_specs=pl.BlockSpec((_BM, dout), lambda s, m: (m[1, s], 0)),
    )
    return pl.pallas_call(
        _gmm_kernel,
        grid_spec=grid_spec,
        out_shape=jax.ShapeDtypeStruct((n, dout), jnp.float32),
    )(maps, x_sorted, W, b.reshape(e, 1, dout))


def kernel(input_batch, indices, W, b):
    n, d = input_batch.shape
    e = W.shape[0]
    nb = n // _BM
    maxp = nb + e - 1
    rank, maps = _routing(indices.astype(jnp.int32), n, e)
    x_sorted = _sc_scatter_rows(input_batch, rank, n, d)
    return _grouped_matmul(x_sorted, W, b, maps, maxp)

# --- scband reference (transcript-rebuilt; emitter-appended) ---
"""Pipeline reference for scband-experts-module-38774964748493 (READ-ONLY COPY).

The authoritative reference and input builder live on the scoring server;
editing this copy changes nothing except your own understanding.
"""

import jax, jax.numpy as jnp
import numpy as np

E = 64
DIN = 768
DOUT = 768
N = 2048


def setup_inputs(seed: int = 0) -> dict:
    key = jax.random.key(seed)
    k1, k2, k3 = jax.random.split(key, 3)
    input_batch = jax.random.normal(k1, (N, DIN), dtype=jnp.float32)
    indices = jax.random.randint(k2, (N, 1), 0, E)
    # Expert parameters: one linear layer (input_dim -> output_dim) per expert.
    W = jax.random.normal(k3, (E, DIN, DOUT), dtype=jnp.float32) * (1.0 / np.sqrt(DIN))
    b = jnp.zeros((E, DOUT), dtype=jnp.float32)
    return {"input_batch": input_batch, "indices": indices, "W": W, "b": b}


def reference(input_batch, indices, W, b):
    # Faithful translation of ExpertsModule.compute_expert_outputs:
    # for each expert e:
    #   boolean = (indices == e); flattened = boolean.sum(-1); sel = flattened.nonzero()
    #   gather assigned samples, apply expert LayerBlock (linear + relu, no LN, no dropout)
    # concatenate outputs over experts in expert order.
    flat = indices[:, 0]
    out = jnp.zeros((input_batch.shape[0], W.shape[2]), dtype=input_batch.dtype)
    for e in range(W.shape[0]):
        out_e = jax.nn.relu(input_batch @ W[e] + b[e])
        out = jnp.where((flat == e)[:, None], out_e, out)
    order = jnp.argsort(flat, stable=True)
    return jnp.take(out, order, axis=0)

if __name__ == "__main__":
    import jax
    _d = setup_inputs()
    print(jax.jit(kernel)(*tuple(_d.values())))

</pallas_src>

<mosaic_0001>
#map = affine_map<(d0, d1) -> (0, 0)>
#map1 = affine_map<(d0, d1) -> (0)>
module attributes {stable_mosaic.version = 14 : i64} {
  func.func @scatter_kernel(%arg0: i32, %arg1: i32, %arg2: memref<2048x768xf32, #tpu.memory_space<hbm>>, %arg3: memref<2048xi32, #tpu.memory_space<hbm>>, %arg4: memref<2048x768xf32, #tpu.memory_space<hbm>>, %arg5: memref<32xi32, #tpu.memory_space<vmem>>, %arg6: memref<32xi32, #tpu.memory_space<vmem>>, %arg7: memref<32x768xf32, #tpu.memory_space<vmem>>, %arg8: memref<32x768xf32, #tpu.memory_space<vmem>>, %arg9: memref<!tpu.dma_semaphore, #tpu.memory_space<semaphore_mem>>, %arg10: memref<!tpu.dma_semaphore, #tpu.memory_space<semaphore_mem>>, %arg11: memref<!tpu.dma_semaphore, #tpu.memory_space<semaphore_mem>>, %arg12: memref<!tpu.dma_semaphore, #tpu.memory_space<semaphore_mem>>) attributes {dimension_semantics = [#tpu.dimension_semantics<core_parallel>, #tpu.dimension_semantics<subcore_parallel>], iteration_bounds = array<i64: 2, 16>, scalar_prefetch = 0 : i64, scratch_operands = 8 : i64, tpu.core_type = #tpu.core_type<sc_vector_subcore>, window_params = [{transform_indices = #map}, {transform_indices = #map1}, {transform_indices = #map}]} {
    %mul3A = arith.constant 2 : i32
    %mul3A_0 = arith.muli %arg1, %mul3A : i32
    %add3A = arith.addi %mul3A_0, %arg0 : i32
    %mul3A_1 = arith.constant 64 : i32
    %mul3A_2 = arith.muli %add3A, %mul3A_1 : i32
    %dma_start3A = tpu.memref_slice %arg3[%mul3A_2] : memref<2048xi32, #tpu.memory_space<hbm>> -> memref<32xi32, #tpu.memory_space<hbm>>
    %dma_start3A_3 = tpu.memref_slice %arg3[%mul3A_2] : memref<2048xi32, #tpu.memory_space<hbm>> -> memref<32xi32, #tpu.memory_space<hbm>>
    tpu.enqueue_dma source(%dma_start3A_3 : memref<32xi32, #tpu.memory_space<hbm>>) target(%arg5 : memref<32xi32, #tpu.memory_space<vmem>>) target_semaphore(%arg9 : memref<!tpu.dma_semaphore, #tpu.memory_space<semaphore_mem>>)
    %dma_start3A_4 = arith.constant 0 : i32
    %dma_start3A_5 = tpu.memref_slice %arg2[%mul3A_2, %dma_start3A_4] : memref<2048x768xf32, #tpu.memory_space<hbm>> -> memref<32x768xf32, #tpu.memory_space<hbm>>
    %dma_start3A_6 = arith.constant 0 : i32
    %dma_start3A_7 = tpu.memref_slice %arg2[%mul3A_2, %dma_start3A_6] : memref<2048x768xf32, #tpu.memory_space<hbm>> -> memref<32x768xf32, #tpu.memory_space<hbm>>
    tpu.enqueue_dma source(%dma_start3A_7 : memref<32x768xf32, #tpu.memory_space<hbm>>) target(%arg7 : memref<32x768xf32, #tpu.memory_space<vmem>>) target_semaphore(%arg10 : memref<!tpu.dma_semaphore, #tpu.memory_space<semaphore_mem>>)
    %add3A_8 = arith.constant 32 : i32
    %add3A_9 = arith.addi %mul3A_2, %add3A_8 : i32
    %dma_start3A_10 = tpu.memref_slice %arg3[%add3A_9] : memref<2048xi32, #tpu.memory_space<hbm>> -> memref<32xi32, #tpu.memory_space<hbm>>
    %dma_start3A_11 = tpu.memref_slice %arg3[%add3A_9] : memref<2048xi32, #tpu.memory_space<hbm>> -> memref<32xi32, #tpu.memory_space<hbm>>
    tpu.enqueue_dma source(%dma_start3A_11 : memref<32xi32, #tpu.memory_space<hbm>>) target(%arg6 : memref<32xi32, #tpu.memory_space<vmem>>) target_semaphore(%arg11 : memref<!tpu.dma_semaphore, #tpu.memory_space<semaphore_mem>>)
    %add3A_12 = arith.constant 32 : i32
    %add3A_13 = arith.addi %mul3A_2, %add3A_12 : i32
    %dma_start3A_14 = arith.constant 0 : i32
    %dma_start3A_15 = tpu.memref_slice %arg2[%add3A_13, %dma_start3A_14] : memref<2048x768xf32, #tpu.memory_space<hbm>> -> memref<32x768xf32, #tpu.memory_space<hbm>>
    %dma_start3A_16 = arith.constant 0 : i32
    %dma_start3A_17 = tpu.memref_slice %arg2[%add3A_13, %dma_start3A_16] : memref<2048x768xf32, #tpu.memory_space<hbm>> -> memref<32x768xf32, #tpu.memory_space<hbm>>
    tpu.enqueue_dma source(%dma_start3A_17 : memref<32x768xf32, #tpu.memory_space<hbm>>) target(%arg8 : memref<32x768xf32, #tpu.memory_space<vmem>>) target_semaphore(%arg12 : memref<!tpu.dma_semaphore, #tpu.memory_space<semaphore_mem>>)
    %dma_wait3A = tpu.memref_slice %arg3[%mul3A_2] : memref<2048xi32, #tpu.memory_space<hbm>> -> memref<32xi32, #tpu.memory_space<hbm>>
    %dma_wait3A_18 = tpu.memref_slice %arg3[%mul3A_2] : memref<2048xi32, #tpu.memory_space<hbm>> -> memref<32xi32, #tpu.memory_space<hbm>>
    tpu.wait_dma2 semaphore(%arg9 : memref<!tpu.dma_semaphore, #tpu.memory_space<semaphore_mem>>) src(%dma_wait3A_18 : memref<32xi32, #tpu.memory_space<hbm>>) dst(%arg5 : memref<32xi32, #tpu.memory_space<vmem>>)
    %dma_wait3A_19 = arith.constant 0 : i32
    %dma_wait3A_20 = tpu.memref_slice %arg2[%mul3A_2, %dma_wait3A_19] : memref<2048x768xf32, #tpu.memory_space<hbm>> -> memref<32x768xf32, #tpu.memory_space<hbm>>
    %dma_wait3A_21 = arith.constant 0 : i32
    %dma_wait3A_22 = tpu.memref_slice %arg2[%mul3A_2, %dma_wait3A_21] : memref<2048x768xf32, #tpu.memory_space<hbm>> -> memref<32x768xf32, #tpu.memory_space<hbm>>
    tpu.wait_dma2 semaphore(%arg10 : memref<!tpu.dma_semaphore, #tpu.memory_space<semaphore_mem>>) src(%dma_wait3A_22 : memref<32x768xf32, #tpu.memory_space<hbm>>) dst(%arg7 : memref<32x768xf32, #tpu.memory_space<vmem>>)
    %dma_start3A_23 = arith.constant 0 : i32
    %dma_start3A_24 = arith.constant 0 : i32
    %dma_start3A_25 = tpu.memref_slice %arg4[%dma_start3A_23, %dma_start3A_24] : memref<2048x768xf32, #tpu.memory_space<hbm>> -> memref<2048x768xf32, #tpu.memory_space<hbm>>
    tpu.enqueue_indirect_dma source(%arg7 : memref<32x768xf32, #tpu.memory_space<vmem>>) target(%dma_start3A_25 : memref<2048x768xf32, #tpu.memory_space<hbm>>) offsets(%arg5 : memref<32xi32, #tpu.memory_space<vmem>>) semaphore(%arg9 : memref<!tpu.dma_semaphore, #tpu.memory_space<semaphore_mem>>)
    %dma_wait3A_26 = tpu.memref_slice %arg3[%add3A_9] : memref<2048xi32, #tpu.memory_space<hbm>> -> memref<32xi32, #tpu.memory_space<hbm>>
    %dma_wait3A_27 = tpu.memref_slice %arg3[%add3A_9] : memref<2048xi32, #tpu.memory_space<hbm>> -> memref<32xi32, #tpu.memory_space<hbm>>
    tpu.wait_dma2 semaphore(%arg11 : memref<!tpu.dma_semaphore, #tpu.memory_space<semaphore_mem>>) src(%dma_wait3A_27 : memref<32xi32, #tpu.memory_space<hbm>>) dst(%arg6 : memref<32xi32, #tpu.memory_space<vmem>>)
    %dma_wait3A_28 = arith.constant 0 : i32
    %dma_wait3A_29 = tpu.memref_slice %arg2[%add3A_13, %dma_wait3A_28] : memref<2048x768xf32, #tpu.memory_space<hbm>> -> memref<32x768xf32, #tpu.memory_space<hbm>>
    %dma_wait3A_30 = arith.constant 0 : i32
    %dma_wait3A_31 = tpu.memref_slice %arg2[%add3A_13, %dma_wait3A_30] : memref<2048x768xf32, #tpu.memory_space<hbm>> -> memref<32x768xf32, #tpu.memory_space<hbm>>
    tpu.wait_dma2 semaphore(%arg12 : memref<!tpu.dma_semaphore, #tpu.memory_space<semaphore_mem>>) src(%dma_wait3A_31 : memref<32x768xf32, #tpu.memory_space<hbm>>) dst(%arg8 : memref<32x768xf32, #tpu.memory_space<vmem>>)
    %dma_start3A_32 = arith.constant 0 : i32
    %dma_start3A_33 = arith.constant 0 : i32
    %dma_start3A_34 = tpu.memref_slice %arg4[%dma_start3A_32, %dma_start3A_33] : memref<2048x768xf32, #tpu.memory_space<hbm>> -> memref<2048x768xf32, #tpu.memory_space<hbm>>
    tpu.enqueue_indirect_dma source(%arg8 : memref<32x768xf32, #tpu.memory_space<vmem>>) target(%dma_start3A_34 : memref<2048x768xf32, #tpu.memory_space<hbm>>) offsets(%arg6 : memref<32xi32, #tpu.memory_space<vmem>>) semaphore(%arg10 : memref<!tpu.dma_semaphore, #tpu.memory_space<semaphore_mem>>)
    %dma_wait3A_35 = arith.constant 0 : i32
    %dma_wait3A_36 = arith.constant 0 : i32
    %dma_wait3A_37 = tpu.memref_slice %arg4[%dma_wait3A_35, %dma_wait3A_36] : memref<2048x768xf32, #tpu.memory_space<hbm>> -> memref<2048x768xf32, #tpu.memory_space<hbm>>
    tpu.wait_indirect_dma semaphore(%arg9 : memref<!tpu.dma_semaphore, #tpu.memory_space<semaphore_mem>>) src(%arg7 : memref<32x768xf32, #tpu.memory_space<vmem>>) dst(%dma_wait3A_37 : memref<2048x768xf32, #tpu.memory_space<hbm>>)
    %dma_wait3A_38 = arith.constant 0 : i32
    %dma_wait3A_39 = arith.constant 0 : i32
    %dma_wait3A_40 = tpu.memref_slice %arg4[%dma_wait3A_38, %dma_wait3A_39] : memref<2048x768xf32, #tpu.memory_space<hbm>> -> memref<2048x768xf32, #tpu.memory_space<hbm>>
    tpu.wait_indirect_dma semaphore(%arg10 : memref<!tpu.dma_semaphore, #tpu.memory_space<semaphore_mem>>) src(%arg8 : memref<32x768xf32, #tpu.memory_space<vmem>>) dst(%dma_wait3A_40 : memref<2048x768xf32, #tpu.memory_space<hbm>>)
    return
  }
}

module attributes {stable_mosaic.version = 14 : i64} {
  func.func @_routing_kernel(%arg0: memref<2048x1xi32, #tpu.memory_space<vmem>>, %arg1: memref<2048x1xi32, #tpu.memory_space<vmem>>, %arg2: memref<4x128xi32, #tpu.memory_space<vmem>>, %arg3: memref<2048x64xi32, #tpu.memory_space<vmem>>) attributes {dimension_semantics = [], scalar_prefetch = 0 : i64, scratch_operands = 1 : i64, tpu.core_type = #tpu.core_type<tc>} {
    %get3A = arith.constant 0 : index
    %get3A_0 = arith.constant 0 : index
    %get3A_1 = vector.load %arg0[%get3A, %get3A_0] : memref<2048x1xi32, #tpu.memory_space<vmem>>, vector<2048x1xi32>
    %iota3A = tpu.iota {dimensions = array<i32: 1>} : vector<1x64xi32>
    %iota3A_2 = tpu.iota {dimensions = array<i32: 0>} : vector<256x256xi32>
    %iota3A_3 = tpu.iota {dimensions = array<i32: 1>} : vector<256x256xi32>
    %ge3A = arith.cmpi sge, %iota3A_2, %iota3A_3 : vector<256x256xi32>
    %convert_element_type3A = arith.extui %ge3A : vector<256x256xi1> to vector<256x256xi32>
    %convert_element_type3A_4 = arith.sitofp %convert_element_type3A : vector<256x256xi32> to vector<256x256xf32>
    %broadcast_in_dim3A = arith.constant 0 : i32
    %broadcast_in_dim3A_5 = vector.broadcast %broadcast_in_dim3A : i32 to vector<1x64xi32>
    %slice3A = vector.extract_strided_slice %get3A_1 {offsets = [0, 0], sizes = [256, 1], strides = [1, 1]} : vector<2048x1xi32> to vector<256x1xi32>
    %eq3A = vector.broadcast %slice3A : vector<256x1xi32> to vector<256x64xi32>
    %eq3A_6 = vector.broadcast %iota3A : vector<1x64xi32> to vector<256x64xi32>
    %eq3A_7 = arith.cmpi eq, %eq3A, %eq3A_6 : vector<256x64xi32>
    %convert_element_type3A_8 = arith.extui %eq3A_7 : vector<256x64xi1> to vector<256x64xi32>
    %convert_element_type3A_9 = arith.sitofp %convert_element_type3A_8 : vector<256x64xi32> to vector<256x64xf32>
    %dot_general3A = arith.constant dense<0.000000e+00> : vector<256x64xf32>
    %dot_general3A_10 = tpu.matmul %convert_element_type3A_4, %convert_element_type3A_9, %dot_general3A {dimension_numbers = #tpu.dot_dimension_numbers<[1], [0], [0], [1], [0, 0, 1, 1], [], []>, transpose_lhs_hint = false} : vector<256x256xf32>, vector<256x64xf32>, vector<256x64xf32> -> vector<256x64xf32>
    %convert_element_type3A_11 = arith.fptosi %dot_general3A_10 : vector<256x64xf32> to vector<256x64xi32>
    %add3A = vector.broadcast %broadcast_in_dim3A_5 : vector<1x64xi32> to vector<256x64xi32>
    %add3A_12 = arith.addi %convert_element_type3A_11, %add3A : vector<256x64xi32>
    %swap3A = arith.constant 0 : index
    %swap3A_13 = arith.constant 0 : index
    %swap3A_14 = vector.load %arg3[%swap3A, %swap3A_13] : memref<2048x64xi32, #tpu.memory_space<vmem>>, vector<256x64xi32>
    tpu.vector_store %arg3[%swap3A, %swap3A_13], %add3A_12 {strides = array<i32>} : memref<2048x64xi32, #tpu.memory_space<vmem>>, vector<256x64xi32>,
    %convert_element_type3A_15 = arith.fptosi %convert_element_type3A_9 : vector<256x64xf32> to vector<256x64xi32>
    %reduce_sum3A = arith.constant dense<0> : vector<64xi32>
    %reduce_sum3A_16 = vector.multi_reduction <add>, %convert_element_type3A_15, %reduce_sum3A [0] : vector<256x64xi32> to vector<64xi32>
    %broadcast_in_dim3A_17 = vector.shape_cast %reduce_sum3A_16 : vector<64xi32> to vector<1x64xi32>
    %add3A_18 = arith.addi %broadcast_in_dim3A_5, %broadcast_in_dim3A_17 : vector<1x64xi32>
    %slice3A_19 = vector.extract_strided_slice %get3A_1 {offsets = [256, 0], sizes = [256, 1], strides = [1, 1]} : vector<2048x1xi32> to vector<256x1xi32>
    %eq3A_20 = vector.broadcast %slice3A_19 : vector<256x1xi32> to vector<256x64xi32>
    %eq3A_21 = vector.broadcast %iota3A : vector<1x64xi32> to vector<256x64xi32>
    %eq3A_22 = arith.cmpi eq, %eq3A_20, %eq3A_21 : vector<256x64xi32>
    %convert_element_type3A_23 = arith.extui %eq3A_22 : vector<256x64xi1> to vector<256x64xi32>
    %convert_element_type3A_24 = arith.sitofp %convert_element_type3A_23 : vector<256x64xi32> to vector<256x64xf32>
    %dot_general3A_25 = arith.constant dense<0.000000e+00> : vector<256x64xf32>
    %dot_general3A_26 = tpu.matmul %convert_element_type3A_4, %convert_element_type3A_24, %dot_general3A_25 {dimension_numbers = #tpu.dot_dimension_numbers<[1], [0], [0], [1], [0, 0, 1, 1], [], []>, transpose_lhs_hint = false} : vector<256x256xf32>, vector<256x64xf32>, vector<256x64xf32> -> vector<256x64xf32>
    %convert_element_type3A_27 = arith.fptosi %dot_general3A_26 : vector<256x64xf32> to vector<256x64xi32>
    %add3A_28 = vector.broadcast %add3A_18 : vector<1x64xi32> to vector<256x64xi32>
    %add3A_29 = arith.addi %convert_element_type3A_27, %add3A_28 : vector<256x64xi32>
    %swap3A_30 = arith.constant 256 : index
    %swap3A_31 = arith.constant 0 : index
    %swap3A_32 = vector.load %arg3[%swap3A_30, %swap3A_31] : memref<2048x64xi32, #tpu.memory_space<vmem>>, vector<256x64xi32>
    tpu.vector_store %arg3[%swap3A_30, %swap3A_31], %add3A_29 {strides = array<i32>} : memref<2048x64xi32, #tpu.memory_space<vmem>>, vector<256x64xi32>,
    %convert_element_type3A_33 = arith.fptosi %convert_element_type3A_24 : vector<256x64xf32> to vector<256x64xi32>
    %reduce_sum3A_34 = arith.constant dense<0> : vector<64xi32>
    %reduce_sum3A_35 = vector.multi_reduction <add>, %convert_element_type3A_33, %reduce_sum3A_34 [0] : vector<256x64xi32> to vector<64xi32>
    %broadcast_in_dim3A_36 = vector.shape_cast %reduce_sum3A_35 : vector<64xi32> to vector<1x64xi32>
    %add3A_37 = arith.addi %add3A_18, %broadcast_in_dim3A_36 : vector<1x64xi32>
    %slice3A_38 = vector.extract_strided_slice %get3A_1 {offsets = [512, 0], sizes = [256, 1], strides = [1, 1]} : vector<2048x1xi32> to vector<256x1xi32>
    %eq3A_39 = vector.broadcast %slice3A_38 : vector<256x1xi32> to vector<256x64xi32>
    %eq3A_40 = vector.broadcast %iota3A : vector<1x64xi32> to vector<256x64xi32>
    %eq3A_41 = arith.cmpi eq, %eq3A_39, %eq3A_40 : vector<256x64xi32>
    %convert_element_type3A_42 = arith.extui %eq3A_41 : vector<256x64xi1> to vector<256x64xi32>
    %convert_element_type3A_43 = arith.sitofp %convert_element_type3A_42 : vector<256x64xi32> to vector<256x64xf32>
    %dot_general3A_44 = arith.constant dense<0.000000e+00> : vector<256x64xf32>
    %dot_general3A_45 = tpu.matmul %convert_element_type3A_4, %convert_element_type3A_43, %dot_general3A_44 {dimension_numbers = #tpu.dot_dimension_numbers<[1], [0], [0], [1], [0, 0, 1, 1], [], []>, transpose_lhs_hint = false} : vector<256x256xf32>, vector<256x64xf32>, vector<256x64xf32> -> vector<256x64xf32>
    %convert_element_type3A_46 = arith.fptosi %dot_general3A_45 : vector<256x64xf32> to vector<256x64xi32>
    %add3A_47 = vector.broadcast %add3A_37 : vector<1x64xi32> to vector<256x64xi32>
    %add3A_48 = arith.addi %convert_element_type3A_46, %add3A_47 : vector<256x64xi32>
    %swap3A_49 = arith.constant 512 : index
    %swap3A_50 = arith.constant 0 : index
    %swap3A_51 = vector.load %arg3[%swap3A_49, %swap3A_50] : memref<2048x64xi32, #tpu.memory_space<vmem>>, vector<256x64xi32>
    tpu.vector_store %arg3[%swap3A_49, %swap3A_50], %add3A_48 {strides = array<i32>} : memref<2048x64xi32, #tpu.memory_space<vmem>>, vector<256x64xi32>,
    %convert_element_type3A_52 = arith.fptosi %convert_element_type3A_43 : vector<256x64xf32> to vector<256x64xi32>
    %reduce_sum3A_53 = arith.constant dense<0> : vector<64xi32>
    %reduce_sum3A_54 = vector.multi_reduction <add>, %convert_element_type3A_52, %reduce_sum3A_53 [0] : vector<256x64xi32> to vector<64xi32>
    %broadcast_in_dim3A_55 = vector.shape_cast %reduce_sum3A_54 : vector<64xi32> to vector<1x64xi32>
    %add3A_56 = arith.addi %add3A_37, %broadcast_in_dim3A_55 : vector<1x64xi32>
    %slice3A_57 = vector.extract_strided_slice %get3A_1 {offsets = [768, 0], sizes = [256, 1], strides = [1, 1]} : vector<2048x1xi32> to vector<256x1xi32>
    %eq3A_58 = vector.broadcast %slice3A_57 : vector<256x1xi32> to vector<256x64xi32>
    %eq3A_59 = vector.broadcast %iota3A : vector<1x64xi32> to vector<256x64xi32>
    %eq3A_60 = arith.cmpi eq, %eq3A_58, %eq3A_59 : vector<256x64xi32>
    %convert_element_type3A_61 = arith.extui %eq3A_60 : vector<256x64xi1> to vector<256x64xi32>
    %convert_element_type3A_62 = arith.sitofp %convert_element_type3A_61 : vector<256x64xi32> to vector<256x64xf32>
    %dot_general3A_63 = arith.constant dense<0.000000e+00> : vector<256x64xf32>
    %dot_general3A_64 = tpu.matmul %convert_element_type3A_4, %convert_element_type3A_62, %dot_general3A_63 {dimension_numbers = #tpu.dot_dimension_numbers<[1], [0], [0], [1], [0, 0, 1, 1], [], []>, transpose_lhs_hint = false} : vector<256x256xf32>, vector<256x64xf32>, vector<256x64xf32> -> vector<256x64xf32>
    %convert_element_type3A_65 = arith.fptosi %dot_general3A_64 : vector<256x64xf32> to vector<256x64xi32>
    %add3A_66 = vector.broadcast %add3A_56 : vector<1x64xi32> to vector<256x64xi32>
    %add3A_67 = arith.addi %convert_element_type3A_65, %add3A_66 : vector<256x64xi32>
    %swap3A_68 = arith.constant 768 : index
    %swap3A_69 = arith.constant 0 : index
    %swap3A_70 = vector.load %arg3[%swap3A_68, %swap3A_69] : memref<2048x64xi32, #tpu.memory_space<vmem>>, vector<256x64xi32>
    tpu.vector_store %arg3[%swap3A_68, %swap3A_69], %add3A_67 {strides = array<i32>} : memref<2048x64xi32, #tpu.memory_space<vmem>>, vector<256x64xi32>,
    %convert_element_type3A_71 = arith.fptosi %convert_element_type3A_62 : vector<256x64xf32> to vector<256x64xi32>
    %reduce_sum3A_72 = arith.constant dense<0> : vector<64xi32>
    %reduce_sum3A_73 = vector.multi_reduction <add>, %convert_element_type3A_71, %reduce_sum3A_72 [0] : vector<256x64xi32> to vector<64xi32>
    %broadcast_in_dim3A_74 = vector.shape_cast %reduce_sum3A_73 : vector<64xi32> to vector<1x64xi32>
    %add3A_75 = arith.addi %add3A_56, %broadcast_in_dim3A_74 : vector<1x64xi32>
    %slice3A_76 = vector.extract_strided_slice %get3A_1 {offsets = [1024, 0], sizes = [256, 1], strides = [1, 1]} : vector<2048x1xi32> to vector<256x1xi32>
    %eq3A_77 = vector.broadcast %slice3A_76 : vector<256x1xi32> to vector<256x64xi32>
    %eq3A_78 = vector.broadcast %iota3A : vector<1x64xi32> to vector<256x64xi32>
    %eq3A_79 = arith.cmpi eq, %eq3A_77, %eq3A_78 : vector<256x64xi32>
    %convert_element_type3A_80 = arith.extui %eq3A_79 : vector<256x64xi1> to vector<256x64xi32>
    %convert_element_type3A_81 = arith.sitofp %convert_element_type3A_80 : vector<256x64xi32> to vector<256x64xf32>
    %dot_general3A_82 = arith.constant dense<0.000000e+00> : vector<256x64xf32>
    %dot_general3A_83 = tpu.matmul %convert_element_type3A_4, %convert_element_type3A_81, %dot_general3A_82 {dimension_numbers = #tpu.dot_dimension_numbers<[1], [0], [0], [1], [0, 0, 1, 1], [], []>, transpose_lhs_hint = false} : vector<256x256xf32>, vector<256x64xf32>, vector<256x64xf32> -> vector<256x64xf32>
    %convert_element_type3A_84 = arith.fptosi %dot_general3A_83 : vector<256x64xf32> to vector<256x64xi32>
    %add3A_85 = vector.broadcast %add3A_75 : vector<1x64xi32> to vector<256x64xi32>
    %add3A_86 = arith.addi %convert_element_type3A_84, %add3A_85 : vector<256x64xi32>
    %swap3A_87 = arith.constant 1024 : index
    %swap3A_88 = arith.constant 0 : index
    %swap3A_89 = vector.load %arg3[%swap3A_87, %swap3A_88] : memref<2048x64xi32, #tpu.memory_space<vmem>>, vector<256x64xi32>
    tpu.vector_store %arg3[%swap3A_87, %swap3A_88], %add3A_86 {strides = array<i32>} : memref<2048x64xi32, #tpu.memory_space<vmem>>, vector<256x64xi32>,
    %convert_element_type3A_90 = arith.fptosi %convert_element_type3A_81 : vector<256x64xf32> to vector<256x64xi32>
    %reduce_sum3A_91 = arith.constant dense<0> : vector<64xi32>
    %reduce_sum3A_92 = vector.multi_reduction <add>, %convert_element_type3A_90, %reduce_sum3A_91 [0] : vector<256x64xi32> to vector<64xi32>
    %broadcast_in_dim3A_93 = vector.shape_cast %reduce_sum3A_92 : vector<64xi32> to vector<1x64xi32>
    %add3A_94 = arith.addi %add3A_75, %broadcast_in_dim3A_93 : vector<1x64xi32>
    %slice3A_95 = vector.extract_strided_slice %get3A_1 {offsets = [1280, 0], sizes = [256, 1], strides = [1, 1]} : vector<2048x1xi32> to vector<256x1xi32>
    %eq3A_96 = vector.broadcast %slice3A_95 : vector<256x1xi32> to vector<256x64xi32>
    %eq3A_97 = vector.broadcast %iota3A : vector<1x64xi32> to vector<256x64xi32>
    %eq3A_98 = arith.cmpi eq, %eq3A_96, %eq3A_97 : vector<256x64xi32>
    %convert_element_type3A_99 = arith.extui %eq3A_98 : vector<256x64xi1> to vector<256x64xi32>
    %convert_element_type3A_100 = arith.sitofp %convert_element_type3A_99 : vector<256x64xi32> to vector<256x64xf32>
    %dot_general3A_101 = arith.constant dense<0.000000e+00> : vector<256x64xf32>
    %dot_general3A_102 = tpu.matmul %convert_element_type3A_4, %convert_element_type3A_100, %dot_general3A_101 {dimension_numbers = #tpu.dot_dimension_numbers<[1], [0], [0], [1], [0, 0, 1, 1], [], []>, transpose_lhs_hint = false} : vector<256x256xf32>, vector<256x64xf32>, vector<256x64xf32> -> vector<256x64xf32>
    %convert_element_type3A_103 = arith.fptosi %dot_general3A_102 : vector<256x64xf32> to vector<256x64xi32>
    %add3A_104 = vector.broadcast %add3A_94 : vector<1x64xi32> to vector<256x64xi32>
    %add3A_105 = arith.addi %convert_element_type3A_103, %add3A_104 : vector<256x64xi32>
    %swap3A_106 = arith.constant 1280 : index
    %swap3A_107 = arith.constant 0 : index
    %swap3A_108 = vector.load %arg3[%swap3A_106, %swap3A_107] : memref<2048x64xi32, #tpu.memory_space<vmem>>, vector<256x64xi32>
    tpu.vector_store %arg3[%swap3A_106, %swap3A_107], %add3A_105 {strides = array<i32>} : memref<2048x64xi32, #tpu.memory_space<vmem>>, vector<256x64xi32>,
    %convert_element_type3A_109 = arith.fptosi %convert_element_type3A_100 : vector<256x64xf32> to vector<256x64xi32>
    %reduce_sum3A_110 = arith.constant dense<0> : vector<64xi32>
    %reduce_sum3A_111 = vector.multi_reduction <add>, %convert_element_type3A_109, %reduce_sum3A_110 [0] : vector<256x64xi32> to vector<64xi32>
    %broadcast_in_dim3A_112 = vector.shape_cast %reduce_sum3A_111 : vector<64xi32> to vector<1x64xi32>
    %add3A_113 = arith.addi %add3A_94, %broadcast_in_dim3A_112 : vector<1x64xi32>
    %slice3A_114 = vector.extract_strided_slice %get3A_1 {offsets = [1536, 0], sizes = [256, 1], strides = [1, 1]} : vector<2048x1xi32> to vector<256x1xi32>
    %eq3A_115 = vector.broadcast %slice3A_114 : vector<256x1xi32> to vector<256x64xi32>
    %eq3A_116 = vector.broadcast %iota3A : vector<1x64xi32> to vector<256x64xi32>
    %eq3A_117 = arith.cmpi eq, %eq3A_115, %eq3A_116 : vector<256x64xi32>
    %convert_element_type3A_118 = arith.extui %eq3A_117 : vector<256x64xi1> to vector<256x64xi32>
    %convert_element_type3A_119 = arith.sitofp %convert_element_type3A_118 : vector<256x64xi32> to vector<256x64xf32>
    %dot_general3A_120 = arith.constant dense<0.000000e+00> : vector<256x64xf32>
    %dot_general3A_121 = tpu.matmul %convert_element_type3A_4, %convert_element_type3A_119, %dot_general3A_120 {dimension_numbers = #tpu.dot_dimension_numbers<[1], [0], [0], [1], [0, 0, 1, 1], [], []>, transpose_lhs_hint = false} : vector<256x256xf32>, vector<256x64xf32>, vector<256x64xf32> -> vector<256x64xf32>
    %convert_element_type3A_122 = arith.fptosi %dot_general3A_121 : vector<256x64xf32> to vector<256x64xi32>
    %add3A_123 = vector.broadcast %add3A_113 : vector<1x64xi32> to vector<256x64xi32>
    %add3A_124 = arith.addi %convert_element_type3A_122, %add3A_123 : vector<256x64xi32>
    %swap3A_125 = arith.constant 1536 : index
    %swap3A_126 = arith.constant 0 : index
    %swap3A_127 = vector.load %arg3[%swap3A_125, %swap3A_126] : memref<2048x64xi32, #tpu.memory_space<vmem>>, vector<256x64xi32>
    tpu.vector_store %arg3[%swap3A_125, %swap3A_126], %add3A_124 {strides = array<i32>} : memref<2048x64xi32, #tpu.memory_space<vmem>>, vector<256x64xi32>,
    %convert_element_type3A_128 = arith.fptosi %convert_element_type3A_119 : vector<256x64xf32> to vector<256x64xi32>
    %reduce_sum3A_129 = arith.constant dense<0> : vector<64xi32>
    %reduce_sum3A_130 = vector.multi_reduction <add>, %convert_element_type3A_128, %reduce_sum3A_129 [0] : vector<256x64xi32> to vector<64xi32>
    %broadcast_in_dim3A_131 = vector.shape_cast %reduce_sum3A_130 : vector<64xi32> to vector<1x64xi32>
    %add3A_132 = arith.addi %add3A_113, %broadcast_in_dim3A_131 : vector<1x64xi32>
    %slice3A_133 = vector.extract_strided_slice %get3A_1 {offsets = [1792, 0], sizes = [256, 1], strides = [1, 1]} : vector<2048x1xi32> to vector<256x1xi32>
    %eq3A_134 = vector.broadcast %slice3A_133 : vector<256x1xi32> to vector<256x64xi32>
    %eq3A_135 = vector.broadcast %iota3A : vector<1x64xi32> to vector<256x64xi32>
    %eq3A_136 = arith.cmpi eq, %eq3A_134, %eq3A_135 : vector<256x64xi32>
    %convert_element_type3A_137 = arith.extui %eq3A_136 : vector<256x64xi1> to vector<256x64xi32>
    %convert_element_type3A_138 = arith.sitofp %convert_element_type3A_137 : vector<256x64xi32> to vector<256x64xf32>
    %dot_general3A_139 = arith.constant dense<0.000000e+00> : vector<256x64xf32>
    %dot_general3A_140 = tpu.matmul %convert_element_type3A_4, %convert_element_type3A_138, %dot_general3A_139 {dimension_numbers = #tpu.dot_dimension_numbers<[1], [0], [0], [1], [0, 0, 1, 1], [], []>, transpose_lhs_hint = false} : vector<256x256xf32>, vector<256x64xf32>, vector<256x64xf32> -> vector<256x64xf32>
    %convert_element_type3A_141 = arith.fptosi %dot_general3A_140 : vector<256x64xf32> to vector<256x64xi32>
    %add3A_142 = vector.broadcast %add3A_132 : vector<1x64xi32> to vector<256x64xi32>
    %add3A_143 = arith.addi %convert_element_type3A_141, %add3A_142 : vector<256x64xi32>
    %swap3A_144 = arith.constant 1792 : index
    %swap3A_145 = arith.constant 0 : index
    %swap3A_146 = vector.load %arg3[%swap3A_144, %swap3A_145] : memref<2048x64xi32, #tpu.memory_space<vmem>>, vector<256x64xi32>
    tpu.vector_store %arg3[%swap3A_144, %swap3A_145], %add3A_143 {strides = array<i32>} : memref<2048x64xi32, #tpu.memory_space<vmem>>, vector<256x64xi32>,
    %convert_element_type3A_147 = arith.fptosi %convert_element_type3A_138 : vector<256x64xf32> to vector<256x64xi32>
    %reduce_sum3A_148 = arith.constant dense<0> : vector<64xi32>
    %reduce_sum3A_149 = vector.multi_reduction <add>, %convert_element_type3A_147, %reduce_sum3A_148 [0] : vector<256x64xi32> to vector<64xi32>
    %broadcast_in_dim3A_150 = vector.shape_cast %reduce_sum3A_149 : vector<64xi32> to vector<1x64xi32>
    %add3A_151 = arith.addi %add3A_132, %broadcast_in_dim3A_150 : vector<1x64xi32>
    %iota3A_152 = tpu.iota {dimensions = array<i32: 0>} : vector<64x64xi32>
    %iota3A_153 = tpu.iota {dimensions = array<i32: 1>} : vector<64x64xi32>
    %eq3A_154 = arith.cmpi eq, %iota3A_152, %iota3A_153 : vector<64x64xi32>
    %convert_element_type3A_155 = arith.extui %eq3A_154 : vector<64x64xi1> to vector<64x64xi32>
    %mul3A = vector.broadcast %add3A_151 : vector<1x64xi32> to vector<64x64xi32>
    %mul3A_156 = arith.muli %convert_element_type3A_155, %mul3A : vector<64x64xi32>
    %reduce_sum3A_157 = arith.constant dense<0> : vector<64xi32>
    %reduce_sum3A_158 = vector.multi_reduction <add>, %mul3A_156, %reduce_sum3A_157 [1] : vector<64x64xi32> to vector<64xi32>
    %broadcast_in_dim3A_159 = vector.shape_cast %reduce_sum3A_158 : vector<64xi32> to vector<64x1xi32>
    %lt3A = arith.cmpi slt, %iota3A_152, %iota3A_153 : vector<64x64xi32>
    %convert_element_type3A_160 = arith.extui %lt3A : vector<64x64xi1> to vector<64x64xi32>
    %mul3A_161 = vector.broadcast %broadcast_in_dim3A_159 : vector<64x1xi32> to vector<64x64xi32>
    %mul3A_162 = arith.muli %convert_element_type3A_160, %mul3A_161 : vector<64x64xi32>
    %reduce_sum3A_163 = arith.constant dense<0> : vector<64xi32>
    %reduce_sum3A_164 = vector.multi_reduction <add>, %mul3A_162, %reduce_sum3A_163 [0] : vector<64x64xi32> to vector<64xi32>
    %broadcast_in_dim3A_165 = vector.shape_cast %reduce_sum3A_164 : vector<64xi32> to vector<1x64xi32>
    %lt3A_166 = arith.cmpi slt, %iota3A_153, %iota3A_152 : vector<64x64xi32>
    %convert_element_type3A_167 = arith.extui %lt3A_166 : vector<64x64xi1> to vector<64x64xi32>
    %mul3A_168 = vector.broadcast %add3A_151 : vector<1x64xi32> to vector<64x64xi32>
    %mul3A_169 = arith.muli %convert_element_type3A_167, %mul3A_168 : vector<64x64xi32>
    %reduce_sum3A_170 = arith.constant dense<0> : vector<64xi32>
    %reduce_sum3A_171 = vector.multi_reduction <add>, %mul3A_169, %reduce_sum3A_170 [1] : vector<64x64xi32> to vector<64xi32>
    %broadcast_in_dim3A_172 = vector.shape_cast %reduce_sum3A_171 : vector<64xi32> to vector<64x1xi32>
    %sub3A = arith.constant 1 : i32
    %sub3A_173 = vector.broadcast %sub3A : i32 to vector<1x64xi32>
    %sub3A_174 = arith.subi %broadcast_in_dim3A_165, %sub3A_173 : vector<1x64xi32>
    %slice3A_175 = vector.extract_strided_slice %get3A_1 {offsets = [0, 0], sizes = [256, 1], strides = [1, 1]} : vector<2048x1xi32> to vector<256x1xi32>
    %eq3A_176 = vector.broadcast %slice3A_175 : vector<256x1xi32> to vector<256x64xi32>
    %eq3A_177 = vector.broadcast %iota3A : vector<1x64xi32> to vector<256x64xi32>
    %eq3A_178 = arith.cmpi eq, %eq3A_176, %eq3A_177 : vector<256x64xi32>
    %convert_element_type3A_179 = arith.extui %eq3A_178 : vector<256x64xi1> to vector<256x64xi32>
    %get3A_180 = arith.constant 0 : index
    %get3A_181 = arith.constant 0 : index
    %get3A_182 = vector.load %arg3[%get3A_180, %get3A_181] : memref<2048x64xi32, #tpu.memory_space<vmem>>, vector<256x64xi32>
    %add3A_183 = vector.broadcast %sub3A_174 : vector<1x64xi32> to vector<256x64xi32>
    %add3A_184 = arith.addi %get3A_182, %add3A_183 : vector<256x64xi32>
    %mul3A_185 = arith.muli %convert_element_type3A_179, %add3A_184 : vector<256x64xi32>
    %reduce_sum3A_186 = arith.constant dense<0> : vector<256xi32>
    %reduce_sum3A_187 = vector.multi_reduction <add>, %mul3A_185, %reduce_sum3A_186 [1] : vector<256x64xi32> to vector<256xi32>
    %broadcast_in_dim3A_188 = vector.shape_cast %reduce_sum3A_187 : vector<256xi32> to vector<256x1xi32>
    %swap3A_189 = arith.constant 0 : index
    %swap3A_190 = arith.constant 0 : index
    %swap3A_191 = vector.load %arg1[%swap3A_189, %swap3A_190] : memref<2048x1xi32, #tpu.memory_space<vmem>>, vector<256x1xi32>
    tpu.vector_store %arg1[%swap3A_189, %swap3A_190], %broadcast_in_dim3A_188 {strides = array<i32>} : memref<2048x1xi32, #tpu.memory_space<vmem>>, vector<256x1xi32>,
    %slice3A_192 = vector.extract_strided_slice %get3A_1 {offsets = [256, 0], sizes = [256, 1], strides = [1, 1]} : vector<2048x1xi32> to vector<256x1xi32>
    %eq3A_193 = vector.broadcast %slice3A_192 : vector<256x1xi32> to vector<256x64xi32>
    %eq3A_194 = vector.broadcast %iota3A : vector<1x64xi32> to vector<256x64xi32>
    %eq3A_195 = arith.cmpi eq, %eq3A_193, %eq3A_194 : vector<256x64xi32>
    %convert_element_type3A_196 = arith.extui %eq3A_195 : vector<256x64xi1> to vector<256x64xi32>
    %get3A_197 = arith.constant 256 : index
    %get3A_198 = arith.constant 0 : index
    %get3A_199 = vector.load %arg3[%get3A_197, %get3A_198] : memref<2048x64xi32, #tpu.memory_space<vmem>>, vector<256x64xi32>
    %add3A_200 = vector.broadcast %sub3A_174 : vector<1x64xi32> to vector<256x64xi32>
    %add3A_201 = arith.addi %get3A_199, %add3A_200 : vector<256x64xi32>
    %mul3A_202 = arith.muli %convert_element_type3A_196, %add3A_201 : vector<256x64xi32>
    %reduce_sum3A_203 = arith.constant dense<0> : vector<256xi32>
    %reduce_sum3A_204 = vector.multi_reduction <add>, %mul3A_202, %reduce_sum3A_203 [1] : vector<256x64xi32> to vector<256xi32>
    %broadcast_in_dim3A_205 = vector.shape_cast %reduce_sum3A_204 : vector<256xi32> to vector<256x1xi32>
    %swap3A_206 = arith.constant 256 : index
    %swap3A_207 = arith.constant 0 : index
    %swap3A_208 = vector.load %arg1[%swap3A_206, %swap3A_207] : memref<2048x1xi32, #tpu.memory_space<vmem>>, vector<256x1xi32>
    tpu.vector_store %arg1[%swap3A_206, %swap3A_207], %broadcast_in_dim3A_205 {strides = array<i32>} : memref<2048x1xi32, #tpu.memory_space<vmem>>, vector<256x1xi32>,
    %slice3A_209 = vector.extract_strided_slice %get3A_1 {offsets = [512, 0], sizes = [256, 1], strides = [1, 1]} : vector<2048x1xi32> to vector<256x1xi32>
    %eq3A_210 = vector.broadcast %slice3A_209 : vector<256x1xi32> to vector<256x64xi32>
    %eq3A_211 = vector.broadcast %iota3A : vector<1x64xi32> to vector<256x64xi32>
    %eq3A_212 = arith.cmpi eq, %eq3A_210, %eq3A_211 : vector<256x64xi32>
    %convert_element_type3A_213 = arith.extui %eq3A_212 : vector<256x64xi1> to vector<256x64xi32>
    %get3A_214 = arith.constant 512 : index
    %get3A_215 = arith.constant 0 : index
    %get3A_216 = vector.load %arg3[%get3A_214, %get3A_215] : memref<2048x64xi32, #tpu.memory_space<vmem>>, vector<256x64xi32>
    %add3A_217 = vector.broadcast %sub3A_174 : vector<1x64xi32> to vector<256x64xi32>
    %add3A_218 = arith.addi %get3A_216, %add3A_217 : vector<256x64xi32>
    %mul3A_219 = arith.muli %convert_element_type3A_213, %add3A_218 : vector<256x64xi32>
    %reduce_sum3A_220 = arith.constant dense<0> : vector<256xi32>
    %reduce_sum3A_221 = vector.multi_reduction <add>, %mul3A_219, %reduce_sum3A_220 [1] : vector<256x64xi32> to vector<256xi32>
    %broadcast_in_dim3A_222 = vector.shape_cast %reduce_sum3A_221 : vector<256xi32> to vector<256x1xi32>
    %swap3A_223 = arith.constant 512 : index
    %swap3A_224 = arith.constant 0 : index
    %swap3A_225 = vector.load %arg1[%swap3A_223, %swap3A_224] : memref<2048x1xi32, #tpu.memory_space<vmem>>, vector<256x1xi32>
    tpu.vector_store %arg1[%swap3A_223, %swap3A_224], %broadcast_in_dim3A_222 {strides = array<i32>} : memref<2048x1xi32, #tpu.memory_space<vmem>>, vector<256x1xi32>,
    %slice3A_226 = vector.extract_strided_slice %get3A_1 {offsets = [768, 0], sizes = [256, 1], strides = [1, 1]} : vector<2048x1xi32> to vector<256x1xi32>
    %eq3A_227 = vector.broadcast %slice3A_226 : vector<256x1xi32> to vector<256x64xi32>
    %eq3A_228 = vector.broadcast %iota3A : vector<1x64xi32> to vector<256x64xi32>
    %eq3A_229 = arith.cmpi eq, %eq3A_227, %eq3A_228 : vector<256x64xi32>
    %convert_element_type3A_230 = arith.extui %eq3A_229 : vector<256x64xi1> to vector<256x64xi32>
    %get3A_231 = arith.constant 768 : index
    %get3A_232 = arith.constant 0 : index
    %get3A_233 = vector.load %arg3[%get3A_231, %get3A_232] : memref<2048x64xi32, #tpu.memory_space<vmem>>, vector<256x64xi32>
    %add3A_234 = vector.broadcast %sub3A_174 : vector<1x64xi32> to vector<256x64xi32>
    %add3A_235 = arith.addi %get3A_233, %add3A_234 : vector<256x64xi32>
    %mul3A_236 = arith.muli %convert_element_type3A_230, %add3A_235 : vector<256x64xi32>
    %reduce_sum3A_237 = arith.constant dense<0> : vector<256xi32>
    %reduce_sum3A_238 = vector.multi_reduction <add>, %mul3A_236, %reduce_sum3A_237 [1] : vector<256x64xi32> to vector<256xi32>
    %broadcast_in_dim3A_239 = vector.shape_cast %reduce_sum3A_238 : vector<256xi32> to vector<256x1xi32>
    %swap3A_240 = arith.constant 768 : index
    %swap3A_241 = arith.constant 0 : index
    %swap3A_242 = vector.load %arg1[%swap3A_240, %swap3A_241] : memref<2048x1xi32, #tpu.memory_space<vmem>>, vector<256x1xi32>
    tpu.vector_store %arg1[%swap3A_240, %swap3A_241], %broadcast_in_dim3A_239 {strides = array<i32>} : memref<2048x1xi32, #tpu.memory_space<vmem>>, vector<256x1xi32>,
    %slice3A_243 = vector.extract_strided_slice %get3A_1 {offsets = [1024, 0], sizes = [256, 1], strides = [1, 1]} : vector<2048x1xi32> to vector<256x1xi32>
    %eq3A_244 = vector.broadcast %slice3A_243 : vector<256x1xi32> to vector<256x64xi32>
    %eq3A_245 = vector.broadcast %iota3A : vector<1x64xi32> to vector<256x64xi32>
    %eq3A_246 = arith.cmpi eq, %eq3A_244, %eq3A_245 : vector<256x64xi32>
    %convert_element_type3A_247 = arith.extui %eq3A_246 : vector<256x64xi1> to vector<256x64xi32>
    %get3A_248 = arith.constant 1024 : index
    %get3A_249 = arith.constant 0 : index
    %get3A_250 = vector.load %arg3[%get3A_248, %get3A_249] : memref<2048x64xi32, #tpu.memory_space<vmem>>, vector<256x64xi32>
    %add3A_251 = vector.broadcast %sub3A_174 : vector<1x64xi32> to vector<256x64xi32>
    %add3A_252 = arith.addi %get3A_250, %add3A_251 : vector<256x64xi32>
    %mul3A_253 = arith.muli %convert_element_type3A_247, %add3A_252 : vector<256x64xi32>
    %reduce_sum3A_254 = arith.constant dense<0> : vector<256xi32>
    %reduce_sum3A_255 = vector.multi_reduction <add>, %mul3A_253, %reduce_sum3A_254 [1] : vector<256x64xi32> to vector<256xi32>
    %broadcast_in_dim3A_256 = vector.shape_cast %reduce_sum3A_255 : vector<256xi32> to vector<256x1xi32>
    %swap3A_257 = arith.constant 1024 : index
    %swap3A_258 = arith.constant 0 : index
    %swap3A_259 = vector.load %arg1[%swap3A_257, %swap3A_258] : memref<2048x1xi32, #tpu.memory_space<vmem>>, vector<256x1xi32>
    tpu.vector_store %arg1[%swap3A_257, %swap3A_258], %broadcast_in_dim3A_256 {strides = array<i32>} : memref<2048x1xi32, #tpu.memory_space<vmem>>, vector<256x1xi32>,
    %slice3A_260 = vector.extract_strided_slice %get3A_1 {offsets = [1280, 0], sizes = [256, 1], strides = [1, 1]} : vector<2048x1xi32> to vector<256x1xi32>
    %eq3A_261 = vector.broadcast %slice3A_260 : vector<256x1xi32> to vector<256x64xi32>
    %eq3A_262 = vector.broadcast %iota3A : vector<1x64xi32> to vector<256x64xi32>
    %eq3A_263 = arith.cmpi eq, %eq3A_261, %eq3A_262 : vector<256x64xi32>
    %convert_element_type3A_264 = arith.extui %eq3A_263 : vector<256x64xi1> to vector<256x64xi32>
    %get3A_265 = arith.constant 1280 : index
    %get3A_266 = arith.constant 0 : index
    %get3A_267 = vector.load %arg3[%get3A_265, %get3A_266] : memref<2048x64xi32, #tpu.memory_space<vmem>>, vector<256x64xi32>
    %add3A_268 = vector.broadcast %sub3A_174 : vector<1x64xi32> to vector<256x64xi32>
    %add3A_269 = arith.addi %get3A_267, %add3A_268 : vector<256x64xi32>
    %mul3A_270 = arith.muli %convert_element_type3A_264, %add3A_269 : vector<256x64xi32>
    %reduce_sum3A_271 = arith.constant dense<0> : vector<256xi32>
    %reduce_sum3A_272 = vector.multi_reduction <add>, %mul3A_270, %reduce_sum3A_271 [1] : vector<256x64xi32> to vector<256xi32>
    %broadcast_in_dim3A_273 = vector.shape_cast %reduce_sum3A_272 : vector<256xi32> to vector<256x1xi32>
    %swap3A_274 = arith.constant 1280 : index
    %swap3A_275 = arith.constant 0 : index
    %swap3A_276 = vector.load %arg1[%swap3A_274, %swap3A_275] : memref<2048x1xi32, #tpu.memory_space<vmem>>, vector<256x1xi32>
    tpu.vector_store %arg1[%swap3A_274, %swap3A_275], %broadcast_in_dim3A_273 {strides = array<i32>} : memref<2048x1xi32, #tpu.memory_space<vmem>>, vector<256x1xi32>,
    %slice3A_277 = vector.extract_strided_slice %get3A_1 {offsets = [1536, 0], sizes = [256, 1], strides = [1, 1]} : vector<2048x1xi32> to vector<256x1xi32>
    %eq3A_278 = vector.broadcast %slice3A_277 : vector<256x1xi32> to vector<256x64xi32>
    %eq3A_279 = vector.broadcast %iota3A : vector<1x64xi32> to vector<256x64xi32>
    %eq3A_280 = arith.cmpi eq, %eq3A_278, %eq3A_279 : vector<256x64xi32>
    %convert_element_type3A_281 = arith.extui %eq3A_280 : vector<256x64xi1> to vector<256x64xi32>
    %get3A_282 = arith.constant 1536 : index
    %get3A_283 = arith.constant 0 : index
    %get3A_284 = vector.load %arg3[%get3A_282, %get3A_283] : memref<2048x64xi32, #tpu.memory_space<vmem>>, vector<256x64xi32>
    %add3A_285 = vector.broadcast %sub3A_174 : vector<1x64xi32> to vector<256x64xi32>
    %add3A_286 = arith.addi %get3A_284, %add3A_285 : vector<256x64xi32>
    %mul3A_287 = arith.muli %convert_element_type3A_281, %add3A_286 : vector<256x64xi32>
    %reduce_sum3A_288 = arith.constant dense<0> : vector<256xi32>
    %reduce_sum3A_289 = vector.multi_reduction <add>, %mul3A_287, %reduce_sum3A_288 [1] : vector<256x64xi32> to vector<256xi32>
    %broadcast_in_dim3A_290 = vector.shape_cast %reduce_sum3A_289 : vector<256xi32> to vector<256x1xi32>
    %swap3A_291 = arith.constant 1536 : index
    %swap3A_292 = arith.constant 0 : index
    %swap3A_293 = vector.load %arg1[%swap3A_291, %swap3A_292] : memref<2048x1xi32, #tpu.memory_space<vmem>>, vector<256x1xi32>
    tpu.vector_store %arg1[%swap3A_291, %swap3A_292], %broadcast_in_dim3A_290 {strides = array<i32>} : memref<2048x1xi32, #tpu.memory_space<vmem>>, vector<256x1xi32>,
    %slice3A_294 = vector.extract_strided_slice %get3A_1 {offsets = [1792, 0], sizes = [256, 1], strides = [1, 1]} : vector<2048x1xi32> to vector<256x1xi32>
    %eq3A_295 = vector.broadcast %slice3A_294 : vector<256x1xi32> to vector<256x64xi32>
    %eq3A_296 = vector.broadcast %iota3A : vector<1x64xi32> to vector<256x64xi32>
    %eq3A_297 = arith.cmpi eq, %eq3A_295, %eq3A_296 : vector<256x64xi32>
    %convert_element_type3A_298 = arith.extui %eq3A_297 : vector<256x64xi1> to vector<256x64xi32>
    %get3A_299 = arith.constant 1792 : index
    %get3A_300 = arith.constant 0 : index
    %get3A_301 = vector.load %arg3[%get3A_299, %get3A_300] : memref<2048x64xi32, #tpu.memory_space<vmem>>, vector<256x64xi32>
    %add3A_302 = vector.broadcast %sub3A_174 : vector<1x64xi32> to vector<256x64xi32>
    %add3A_303 = arith.addi %get3A_301, %add3A_302 : vector<256x64xi32>
    %mul3A_304 = arith.muli %convert_element_type3A_298, %add3A_303 : vector<256x64xi32>
    %reduce_sum3A_305 = arith.constant dense<0> : vector<256xi32>
    %reduce_sum3A_306 = vector.multi_reduction <add>, %mul3A_304, %reduce_sum3A_305 [1] : vector<256x64xi32> to vector<256xi32>
    %broadcast_in_dim3A_307 = vector.shape_cast %reduce_sum3A_306 : vector<256xi32> to vector<256x1xi32>
    %swap3A_308 = arith.constant 1792 : index
    %swap3A_309 = arith.constant 0 : index
    %swap3A_310 = vector.load %arg1[%swap3A_308, %swap3A_309] : memref<2048x1xi32, #tpu.memory_space<vmem>>, vector<256x1xi32>
    tpu.vector_store %arg1[%swap3A_308, %swap3A_309], %broadcast_in_dim3A_307 {strides = array<i32>} : memref<2048x1xi32, #tpu.memory_space<vmem>>, vector<256x1xi32>,
    %jit3A = arith.constant 256 : i32
    %div3A = vector.broadcast %jit3A : i32 to vector<64x1xi32>
    %div3A_311 = arith.divsi %broadcast_in_dim3A_172, %div3A : vector<64x1xi32>
    %sign3A = arith.constant 0 : i32
    %sign3A_312 = vector.broadcast %sign3A : i32 to vector<64x1xi32>
    %sign3A_313 = arith.cmpi sgt, %broadcast_in_dim3A_172, %sign3A_312 : vector<64x1xi32>
    %sign3A_314 = arith.extui %sign3A_313 : vector<64x1xi1> to vector<64x1xi32>
    %sign3A_315 = arith.constant 0 : i32
    %sign3A_316 = vector.broadcast %sign3A_315 : i32 to vector<64x1xi32>
    %sign3A_317 = arith.cmpi slt, %broadcast_in_dim3A_172, %sign3A_316 : vector<64x1xi32>
    %sign3A_318 = arith.extui %sign3A_317 : vector<64x1xi1> to vector<64x1xi32>
    %sign3A_319 = arith.subi %sign3A_314, %sign3A_318 : vector<64x1xi32>
    %sign3A_320 = arith.constant 0 : i32
    %sign3A_321 = arith.cmpi sgt, %jit3A, %sign3A_320 : i32
    %sign3A_322 = arith.extui %sign3A_321 : i1 to i32
    %sign3A_323 = arith.constant 0 : i32
    %sign3A_324 = arith.cmpi slt, %jit3A, %sign3A_323 : i32
    %sign3A_325 = arith.extui %sign3A_324 : i1 to i32
    %sign3A_326 = arith.subi %sign3A_322, %sign3A_325 : i32
    %ne3A = vector.broadcast %sign3A_326 : i32 to vector<64x1xi32>
    %ne3A_327 = arith.cmpi ne, %sign3A_319, %ne3A : vector<64x1xi32>
    %rem3A = vector.broadcast %jit3A : i32 to vector<64x1xi32>
    %rem3A_328 = arith.remsi %broadcast_in_dim3A_172, %rem3A : vector<64x1xi32>
    %ne3A_329 = arith.constant 0 : i32
    %ne3A_330 = vector.broadcast %ne3A_329 : i32 to vector<64x1xi32>
    %ne3A_331 = arith.cmpi ne, %rem3A_328, %ne3A_330 : vector<64x1xi32>
    %and3A = arith.andi %ne3A_327, %ne3A_331 : vector<64x1xi1>
    %sub3A_332 = arith.constant 1 : i32
    %sub3A_333 = vector.broadcast %sub3A_332 : i32 to vector<64x1xi32>
    %sub3A_334 = arith.subi %div3A_311, %sub3A_333 : vector<64x1xi32>
    %select_n3A = arith.select %and3A, %sub3A_334, %div3A_311 : vector<64x1xi1>, vector<64x1xi32>
    %add3A_335 = arith.addi %broadcast_in_dim3A_172, %broadcast_in_dim3A_159 : vector<64x1xi32>
    %sub3A_336 = arith.constant 1 : i32
    %sub3A_337 = vector.broadcast %sub3A_336 : i32 to vector<64x1xi32>
    %sub3A_338 = arith.subi %add3A_335, %sub3A_337 : vector<64x1xi32>
    %jit3A_339 = arith.constant 256 : i32
    %div3A_340 = vector.broadcast %jit3A_339 : i32 to vector<64x1xi32>
    %div3A_341 = arith.divsi %sub3A_338, %div3A_340 : vector<64x1xi32>
    %sign3A_342 = arith.constant 0 : i32
    %sign3A_343 = vector.broadcast %sign3A_342 : i32 to vector<64x1xi32>
    %sign3A_344 = arith.cmpi sgt, %sub3A_338, %sign3A_343 : vector<64x1xi32>
    %sign3A_345 = arith.extui %sign3A_344 : vector<64x1xi1> to vector<64x1xi32>
    %sign3A_346 = arith.constant 0 : i32
    %sign3A_347 = vector.broadcast %sign3A_346 : i32 to vector<64x1xi32>
    %sign3A_348 = arith.cmpi slt, %sub3A_338, %sign3A_347 : vector<64x1xi32>
    %sign3A_349 = arith.extui %sign3A_348 : vector<64x1xi1> to vector<64x1xi32>
    %sign3A_350 = arith.subi %sign3A_345, %sign3A_349 : vector<64x1xi32>
    %sign3A_351 = arith.constant 0 : i32
    %sign3A_352 = arith.cmpi sgt, %jit3A_339, %sign3A_351 : i32
    %sign3A_353 = arith.extui %sign3A_352 : i1 to i32
    %sign3A_354 = arith.constant 0 : i32
    %sign3A_355 = arith.cmpi slt, %jit3A_339, %sign3A_354 : i32
    %sign3A_356 = arith.extui %sign3A_355 : i1 to i32
    %sign3A_357 = arith.subi %sign3A_353, %sign3A_356 : i32
    %ne3A_358 = vector.broadcast %sign3A_357 : i32 to vector<64x1xi32>
    %ne3A_359 = arith.cmpi ne, %sign3A_350, %ne3A_358 : vector<64x1xi32>
    %rem3A_360 = vector.broadcast %jit3A_339 : i32 to vector<64x1xi32>
    %rem3A_361 = arith.remsi %sub3A_338, %rem3A_360 : vector<64x1xi32>
    %ne3A_362 = arith.constant 0 : i32
    %ne3A_363 = vector.broadcast %ne3A_362 : i32 to vector<64x1xi32>
    %ne3A_364 = arith.cmpi ne, %rem3A_361, %ne3A_363 : vector<64x1xi32>
    %and3A_365 = arith.andi %ne3A_359, %ne3A_364 : vector<64x1xi1>
    %sub3A_366 = arith.constant 1 : i32
    %sub3A_367 = vector.broadcast %sub3A_366 : i32 to vector<64x1xi32>
    %sub3A_368 = arith.subi %div3A_341, %sub3A_367 : vector<64x1xi32>
    %select_n3A_369 = arith.select %and3A_365, %sub3A_368, %div3A_341 : vector<64x1xi1>, vector<64x1xi32>
    %gt3A = arith.constant 0 : i32
    %gt3A_370 = vector.broadcast %gt3A : i32 to vector<64x1xi32>
    %gt3A_371 = arith.cmpi sgt, %broadcast_in_dim3A_159, %gt3A_370 : vector<64x1xi32>
    %sub3A_372 = arith.subi %select_n3A_369, %select_n3A : vector<64x1xi32>
    %add3A_373 = arith.constant 1 : i32
    %add3A_374 = vector.broadcast %add3A_373 : i32 to vector<64x1xi32>
    %add3A_375 = arith.addi %sub3A_372, %add3A_374 : vector<64x1xi32>
    %jit3A_376 = arith.constant 0 : i32
    %broadcast_in_dim3A_377 = vector.broadcast %jit3A_376 : i32 to vector<64x1xi32>
    %select_n3A_378 = arith.select %gt3A_371, %add3A_375, %broadcast_in_dim3A_377 : vector<64x1xi1>, vector<64x1xi32>
    %mul3A_379 = vector.broadcast %select_n3A_378 : vector<64x1xi32> to vector<64x64xi32>
    %mul3A_380 = arith.muli %convert_element_type3A_155, %mul3A_379 : vector<64x64xi32>
    %reduce_sum3A_381 = arith.constant dense<0> : vector<64xi32>
    %reduce_sum3A_382 = vector.multi_reduction <add>, %mul3A_380, %reduce_sum3A_381 [0] : vector<64x64xi32> to vector<64xi32>
    %broadcast_in_dim3A_383 = vector.shape_cast %reduce_sum3A_382 : vector<64xi32> to vector<1x64xi32>
    %le3A = arith.cmpi sle, %iota3A_153, %iota3A_152 : vector<64x64xi32>
    %convert_element_type3A_384 = arith.extui %le3A : vector<64x64xi1> to vector<64x64xi32>
    %mul3A_385 = vector.broadcast %broadcast_in_dim3A_383 : vector<1x64xi32> to vector<64x64xi32>
    %mul3A_386 = arith.muli %convert_element_type3A_384, %mul3A_385 : vector<64x64xi32>
    %reduce_sum3A_387 = arith.constant dense<0> : vector<64xi32>
    %reduce_sum3A_388 = vector.multi_reduction <add>, %mul3A_386, %reduce_sum3A_387 [1] : vector<64x64xi32> to vector<64xi32>
    %broadcast_in_dim3A_389 = vector.shape_cast %reduce_sum3A_388 : vector<64xi32> to vector<64x1xi32>
    %reduce_sum3A_390 = vector.shape_cast %select_n3A_378 : vector<64x1xi32> to vector<1x64x1xi32>
    %reduce_sum3A_391 = arith.constant dense<0> : vector<1xi32>
    %reduce_sum3A_392 = vector.multi_reduction <add>, %reduce_sum3A_390, %reduce_sum3A_391 [1, 2] : vector<1x64x1xi32> to vector<1xi32>
    %reduce_sum3A_393 = vector.shape_cast %reduce_sum3A_392 : vector<1xi32> to vector<1x1x1xi32>
    %reduce_sum3A_394 = vector.extract %reduce_sum3A_393[0, 0, 0] : i32 from vector<1x1x1xi32>
    %broadcast_in_dim3A_395 = vector.broadcast %reduce_sum3A_394 : i32 to vector<1x1xi32>
    %iota3A_396 = tpu.iota {dimensions = array<i32: 1>} : vector<1x128xi32>
    %le3A_397 = vector.broadcast %broadcast_in_dim3A_389 : vector<64x1xi32> to vector<64x128xi32>
    %le3A_398 = vector.broadcast %iota3A_396 : vector<1x128xi32> to vector<64x128xi32>
    %le3A_399 = arith.cmpi sle, %le3A_397, %le3A_398 : vector<64x128xi32>
    %convert_element_type3A_400 = arith.extui %le3A_399 : vector<64x128xi1> to vector<64x128xi32>
    %reduce_sum3A_401 = arith.constant dense<0> : vector<128xi32>
    %reduce_sum3A_402 = vector.multi_reduction <add>, %convert_element_type3A_400, %reduce_sum3A_401 [0] : vector<64x128xi32> to vector<128xi32>
    %broadcast_in_dim3A_403 = vector.shape_cast %reduce_sum3A_402 : vector<128xi32> to vector<1x128xi32>
    %sub3A_404 = arith.constant 1 : i32
    %sub3A_405 = vector.broadcast %sub3A_404 : i32 to vector<1x1xi32>
    %sub3A_406 = arith.subi %broadcast_in_dim3A_395, %sub3A_405 : vector<1x1xi32>
    %le3A_407 = vector.broadcast %sub3A_406 : vector<1x1xi32> to vector<64x1xi32>
    %le3A_408 = arith.cmpi sle, %broadcast_in_dim3A_389, %le3A_407 : vector<64x1xi32>
    %convert_element_type3A_409 = arith.extui %le3A_408 : vector<64x1xi1> to vector<64x1xi32>
    %reduce_sum3A_410 = arith.constant dense<0> : vector<1xi32>
    %reduce_sum3A_411 = vector.multi_reduction <add>, %convert_element_type3A_409, %reduce_sum3A_410 [0] : vector<64x1xi32> to vector<1xi32>
    %broadcast_in_dim3A_412 = vector.shape_cast %reduce_sum3A_411 : vector<1xi32> to vector<1x1xi32>
    %lt3A_413 = vector.broadcast %broadcast_in_dim3A_395 : vector<1x1xi32> to vector<1x128xi32>
    %lt3A_414 = arith.cmpi slt, %iota3A_396, %lt3A_413 : vector<1x128xi32>
    %broadcast_in_dim3A_415 = vector.shape_cast %broadcast_in_dim3A_412 : vector<1x1xi32> to vector<1x1xi32>
    %broadcast_in_dim3A_416 = vector.broadcast %broadcast_in_dim3A_415 : vector<1x1xi32> to vector<1x128xi32>
    %select_n3A_417 = arith.select %lt3A_414, %broadcast_in_dim3A_403, %broadcast_in_dim3A_416 : vector<1x128xi1>, vector<1x128xi32>
    %iota3A_418 = tpu.iota {dimensions = array<i32: 0>} : vector<64x1xi32>
    %eq3A_419 = vector.broadcast %iota3A_418 : vector<64x1xi32> to vector<64x128xi32>
    %eq3A_420 = vector.broadcast %select_n3A_417 : vector<1x128xi32> to vector<64x128xi32>
    %eq3A_421 = arith.cmpi eq, %eq3A_419, %eq3A_420 : vector<64x128xi32>
    %convert_element_type3A_422 = arith.extui %eq3A_421 : vector<64x128xi1> to vector<64x128xi32>
    %mul3A_423 = vector.broadcast %select_n3A_378 : vector<64x1xi32> to vector<64x128xi32>
    %mul3A_424 = arith.muli %convert_element_type3A_422, %mul3A_423 : vector<64x128xi32>
    %reduce_sum3A_425 = arith.constant dense<0> : vector<128xi32>
    %reduce_sum3A_426 = vector.multi_reduction <add>, %mul3A_424, %reduce_sum3A_425 [0] : vector<64x128xi32> to vector<128xi32>
    %broadcast_in_dim3A_427 = vector.shape_cast %reduce_sum3A_426 : vector<128xi32> to vector<1x128xi32>
    %mul3A_428 = vector.broadcast %broadcast_in_dim3A_389 : vector<64x1xi32> to vector<64x128xi32>
    %mul3A_429 = arith.muli %convert_element_type3A_422, %mul3A_428 : vector<64x128xi32>
    %reduce_sum3A_430 = arith.constant dense<0> : vector<128xi32>
    %reduce_sum3A_431 = vector.multi_reduction <add>, %mul3A_429, %reduce_sum3A_430 [0] : vector<64x128xi32> to vector<128xi32>
    %broadcast_in_dim3A_432 = vector.shape_cast %reduce_sum3A_431 : vector<128xi32> to vector<1x128xi32>
    %mul3A_433 = vector.broadcast %select_n3A : vector<64x1xi32> to vector<64x128xi32>
    %mul3A_434 = arith.muli %convert_element_type3A_422, %mul3A_433 : vector<64x128xi32>
    %reduce_sum3A_435 = arith.constant dense<0> : vector<128xi32>
    %reduce_sum3A_436 = vector.multi_reduction <add>, %mul3A_434, %reduce_sum3A_435 [0] : vector<64x128xi32> to vector<128xi32>
    %broadcast_in_dim3A_437 = vector.shape_cast %reduce_sum3A_436 : vector<128xi32> to vector<1x128xi32>
    %mul3A_438 = vector.broadcast %broadcast_in_dim3A_172 : vector<64x1xi32> to vector<64x128xi32>
    %mul3A_439 = arith.muli %convert_element_type3A_422, %mul3A_438 : vector<64x128xi32>
    %reduce_sum3A_440 = arith.constant dense<0> : vector<128xi32>
    %reduce_sum3A_441 = vector.multi_reduction <add>, %mul3A_439, %reduce_sum3A_440 [0] : vector<64x128xi32> to vector<128xi32>
    %broadcast_in_dim3A_442 = vector.shape_cast %reduce_sum3A_441 : vector<128xi32> to vector<1x128xi32>
    %mul3A_443 = vector.broadcast %broadcast_in_dim3A_159 : vector<64x1xi32> to vector<64x128xi32>
    %mul3A_444 = arith.muli %convert_element_type3A_422, %mul3A_443 : vector<64x128xi32>
    %reduce_sum3A_445 = arith.constant dense<0> : vector<128xi32>
    %reduce_sum3A_446 = vector.multi_reduction <add>, %mul3A_444, %reduce_sum3A_445 [0] : vector<64x128xi32> to vector<128xi32>
    %broadcast_in_dim3A_447 = vector.shape_cast %reduce_sum3A_446 : vector<128xi32> to vector<1x128xi32>
    %sub3A_448 = arith.subi %broadcast_in_dim3A_432, %broadcast_in_dim3A_427 : vector<1x128xi32>
    %sub3A_449 = arith.subi %iota3A_396, %sub3A_448 : vector<1x128xi32>
    %add3A_450 = arith.addi %broadcast_in_dim3A_437, %sub3A_449 : vector<1x128xi32>
    %min3A = arith.constant 7 : i32
    %min3A_451 = vector.broadcast %min3A : i32 to vector<1x128xi32>
    %min3A_452 = arith.minsi %add3A_450, %min3A_451 : vector<1x128xi32>
    %swap3A_453 = arith.constant 0 : index
    %swap3A_454 = arith.constant 0 : index
    %swap3A_455 = vector.load %arg2[%swap3A_453, %swap3A_454] : memref<4x128xi32, #tpu.memory_space<vmem>>, vector<1x128xi32>
    tpu.vector_store %arg2[%swap3A_453, %swap3A_454], %select_n3A_417 {strides = array<i32>} : memref<4x128xi32, #tpu.memory_space<vmem>>, vector<1x128xi32>,
    %swap3A_456 = arith.constant 1 : index
    %swap3A_457 = arith.constant 0 : index
    %swap3A_458 = vector.load %arg2[%swap3A_456, %swap3A_457] : memref<4x128xi32, #tpu.memory_space<vmem>>, vector<1x128xi32>
    tpu.vector_store %arg2[%swap3A_456, %swap3A_457], %min3A_452 {strides = array<i32>} : memref<4x128xi32, #tpu.memory_space<vmem>>, vector<1x128xi32>,
    %jit3A_459 = arith.constant 0 : i32
    %broadcast_in_dim3A_460 = vector.broadcast %jit3A_459 : i32 to vector<1x128xi32>
    %select_n3A_461 = arith.select %lt3A_414, %broadcast_in_dim3A_442, %broadcast_in_dim3A_460 : vector<1x128xi1>, vector<1x128xi32>
    %swap3A_462 = arith.constant 2 : index
    %swap3A_463 = arith.constant 0 : index
    %swap3A_464 = vector.load %arg2[%swap3A_462, %swap3A_463] : memref<4x128xi32, #tpu.memory_space<vmem>>, vector<1x128xi32>
    tpu.vector_store %arg2[%swap3A_462, %swap3A_463], %select_n3A_461 {strides = array<i32>} : memref<4x128xi32, #tpu.memory_space<vmem>>, vector<1x128xi32>,
    %add3A_465 = arith.addi %broadcast_in_dim3A_442, %broadcast_in_dim3A_447 : vector<1x128xi32>
    %jit3A_466 = arith.constant 0 : i32
    %broadcast_in_dim3A_467 = vector.broadcast %jit3A_466 : i32 to vector<1x128xi32>
    %select_n3A_468 = arith.select %lt3A_414, %add3A_465, %broadcast_in_dim3A_467 : vector<1x128xi1>, vector<1x128xi32>
    %swap3A_469 = arith.constant 3 : index
    %swap3A_470 = arith.constant 0 : index
    %swap3A_471 = vector.load %arg2[%swap3A_469, %swap3A_470] : memref<4x128xi32, #tpu.memory_space<vmem>>, vector<1x128xi32>
    tpu.vector_store %arg2[%swap3A_469, %swap3A_470], %select_n3A_468 {strides = array<i32>} : memref<4x128xi32, #tpu.memory_space<vmem>>, vector<1x128xi32>,
    return
  }
}

module attributes {stable_mosaic.version = 14 : i64} {
  func.func @_gmm_kernel(%arg0: i32, %arg1: memref<4x128xi32, #tpu.memory_space<smem>>, %arg2: memref<256x768xf32, #tpu.memory_space<vmem>>, %arg3: memref<1x768x768xf32, #tpu.memory_space<vmem>>, %arg4: memref<1x1x768xf32, #tpu.memory_space<vmem>>, %arg5: memref<256x768xf32, #tpu.memory_space<vmem>>) attributes {dimension_semantics = [#tpu.dimension_semantics<arbitrary>], iteration_bounds = array<i64: 71>, scalar_prefetch = 1 : i64, scratch_operands = 0 : i64, tpu.core_type = #tpu.core_type<tc>, window_params = [{transform_indices = @transform_0, window_bounds = array<i64: 256, 768>}, {transform_indices = @transform_1, window_bounds = array<i64: 1, 768, 768>}, {transform_indices = @transform_2, window_bounds = array<i64: 1, 1, 768>}, {transform_indices = @transform_3, window_bounds = array<i64: 256, 768>}]} {
    %get3A = arith.constant 2 : index
    %get3A_0 = arith.index_cast %arg0 : i32 to index
    %get3A_1 = memref.load %arg1[%get3A, %get3A_0] : memref<4x128xi32, #tpu.memory_space<smem>>
    %get3A_2 = arith.constant 3 : index
    %get3A_3 = arith.index_cast %arg0 : i32 to index
    %get3A_4 = memref.load %arg1[%get3A_2, %get3A_3] : memref<4x128xi32, #tpu.memory_space<smem>>
    %get3A_5 = arith.constant 1 : index
    %get3A_6 = arith.index_cast %arg0 : i32 to index
    %get3A_7 = memref.load %arg1[%get3A_5, %get3A_6] : memref<4x128xi32, #tpu.memory_space<smem>>
    %mul3A = arith.constant 256 : i32
    %mul3A_8 = arith.muli %get3A_7, %mul3A : i32
    %iota3A = tpu.iota {dimensions = array<i32: 0>} : vector<256x1xi32>
    %add3A = vector.broadcast %mul3A_8 : i32 to vector<256x1xi32>
    %add3A_9 = arith.addi %add3A, %iota3A : vector<256x1xi32>
    %ge3A = vector.broadcast %get3A_1 : i32 to vector<256x1xi32>
    %ge3A_10 = arith.cmpi sge, %add3A_9, %ge3A : vector<256x1xi32>
    %lt3A = vector.broadcast %get3A_4 : i32 to vector<256x1xi32>
    %lt3A_11 = arith.cmpi slt, %add3A_9, %lt3A : vector<256x1xi32>
    %and3A = arith.andi %ge3A_10, %lt3A_11 : vector<256x1xi1>
    %get3A_12 = arith.constant 0 : index
    %get3A_13 = arith.constant 0 : index
    %get3A_14 = vector.load %arg2[%get3A_12, %get3A_13] : memref<256x768xf32, #tpu.memory_space<vmem>>, vector<256x768xf32>
    %get3A_15 = arith.constant 0 : index
    %get3A_16 = arith.constant 0 : index
    %get3A_17 = arith.constant 0 : index
    %get3A_18 = vector.load %arg3[%get3A_15, %get3A_16, %get3A_17] : memref<1x768x768xf32, #tpu.memory_space<vmem>>, vector<1x768x768xf32>
    %get3A_19 = vector.shape_cast %get3A_18 : vector<1x768x768xf32> to vector<768x768xf32>
    %dot_general3A = arith.constant dense<0.000000e+00> : vector<256x768xf32>
    %dot_general3A_20 = tpu.matmul %get3A_14, %get3A_19, %dot_general3A {dimension_numbers = #tpu.dot_dimension_numbers<[1], [0], [0], [1], [0, 0, 1, 1], [], []>, transpose_lhs_hint = false} : vector<256x768xf32>, vector<768x768xf32>, vector<256x768xf32> -> vector<256x768xf32>
    %get3A_21 = arith.constant 0 : index
    %get3A_22 = arith.constant 0 : index
    %get3A_23 = arith.constant 0 : index
    %get3A_24 = vector.load %arg4[%get3A_21, %get3A_22, %get3A_23] : memref<1x1x768xf32, #tpu.memory_space<vmem>>, vector<1x1x768xf32>
    %get3A_25 = vector.shape_cast %get3A_24 : vector<1x1x768xf32> to vector<1x768xf32>
    %add3A_26 = vector.broadcast %get3A_25 : vector<1x768xf32> to vector<256x768xf32>
    %add3A_27 = arith.addf %dot_general3A_20, %add3A_26 : vector<256x768xf32>
    %max3A = arith.constant 0.000000e+00 : f32
    %max3A_28 = vector.broadcast %max3A : f32 to vector<256x768xf32>
    %max3A_29 = arith.maximumf %add3A_27, %max3A_28 : vector<256x768xf32>
    %get3A_30 = arith.constant 0 : index
    %get3A_31 = arith.constant 0 : index
    %get3A_32 = vector.load %arg5[%get3A_30, %get3A_31] : memref<256x768xf32, #tpu.memory_space<vmem>>, vector<256x768xf32>
    %broadcast_in_dim3A = vector.shape_cast %and3A : vector<256x1xi1> to vector<256x1xi1>
    %broadcast_in_dim3A_33 = vector.broadcast %broadcast_in_dim3A : vector<256x1xi1> to vector<256x768xi1>
    %select_n3A = arith.select %broadcast_in_dim3A_33, %max3A_29, %get3A_32 : vector<256x768xi1>, vector<256x768xf32>
    %swap3A = arith.constant 0 : index
    %swap3A_34 = arith.constant 0 : index
    %swap3A_35 = vector.load %arg5[%swap3A, %swap3A_34] : memref<256x768xf32, #tpu.memory_space<vmem>>, vector<256x768xf32>
    tpu.vector_store %arg5[%swap3A, %swap3A_34], %select_n3A {strides = array<i32>} : memref<256x768xf32, #tpu.memory_space<vmem>>, vector<256x768xf32>,
    return
  }
  func.func @transform_0(%arg0: i32, %arg1: memref<4x128xi32, #tpu.memory_space<smem>>) -> (i32, i32) {
    %get3A = arith.constant 1 : index
    %get3A_0 = arith.index_cast %arg0 : i32 to index
    %get3A_1 = memref.load %arg1[%get3A, %get3A_0] : memref<4x128xi32, #tpu.memory_space<smem>>
    %c0_i32 = arith.constant 0 : i32
    %c0_i32_2 = arith.constant 0 : i32
    return %get3A_1, %c0_i32 : i32, i32
  }
  func.func @transform_1(%arg0: i32, %arg1: memref<4x128xi32, #tpu.memory_space<smem>>) -> (i32, i32, i32) {
    %get3A = arith.constant 0 : index
    %get3A_0 = arith.index_cast %arg0 : i32 to index
    %get3A_1 = memref.load %arg1[%get3A, %get3A_0] : memref<4x128xi32, #tpu.memory_space<smem>>
    %c0_i32 = arith.constant 0 : i32
    %c0_i32_2 = arith.constant 0 : i32
    %c0_i32_3 = arith.constant 0 : i32
    return %get3A_1, %c0_i32, %c0_i32_2 : i32, i32, i32
  }
  func.func @transform_2(%arg0: i32, %arg1: memref<4x128xi32, #tpu.memory_space<smem>>) -> (i32, i32, i32) {
    %get3A = arith.constant 0 : index
    %get3A_0 = arith.index_cast %arg0 : i32 to index
    %get3A_1 = memref.load %arg1[%get3A, %get3A_0] : memref<4x128xi32, #tpu.memory_space<smem>>
    %c0_i32 = arith.constant 0 : i32
    %c0_i32_2 = arith.constant 0 : i32
    %c0_i32_3 = arith.constant 0 : i32
    return %get3A_1, %c0_i32, %c0_i32_2 : i32, i32, i32
  }
  func.func @transform_3(%arg0: i32, %arg1: memref<4x128xi32, #tpu.memory_space<smem>>) -> (i32, i32) {
    %get3A = arith.constant 1 : index
    %get3A_0 = arith.index_cast %arg0 : i32 to index
    %get3A_1 = memref.load %arg1[%get3A, %get3A_0] : memref<4x128xi32, #tpu.memory_space<smem>>
    %c0_i32 = arith.constant 0 : i32
    %c0_i32_2 = arith.constant 0 : i32
    return %get3A_1, %c0_i32 : i32, i32
  }
}

</mosaic_0001>

<sc_bundles>
// kernel: kernel.5.cloned.1.call-start
scs
__scs_entry_jumppad:
0x0: {  	(pc) =	sbr.rel $0x88, $3  }
0x1: {  	(tag) =	ssettag $0x0;
	lr =	simm.s32 $0x1  }
0x2: {  	[smem:$0x3F9D] =	sst lr;
	_ =	strace $0xD0000000  }
0x3: {  	_ = 	snop  }
0x4: {  	_ = 	snop  }
0x5: {  	_ = 	snop  }
0x6: {  	_ = 	snop  }
0x7: {  	_ = 	snop  }
__scs_overlays_trampoline_lowered:
0x8: {  	[smem:$0x3FAC] =	sst s0  }
0x9: {  	[smem:$0x3FAD] =	sst s1  }
0xa: {  	[smem:$0x3FAE] =	sst s2  }
0xb: {  	[smem:$0x3FAF] =	sst s3  }
0xc: {  	[smem:$0x3FB0] =	sst s4  }
0xd: {  	[smem:$0x3FB1] =	sst s5  }
0xe: {  	[smem:$0x3FB2] =	sst s6  }
0xf: {  	[smem:$0x3FB3] =	sst s7  }
0x10: {  	[smem:$0x3FB4] =	sst s8  }
0x11: {  	[smem:$0x3FB5] =	sst s9;
	s0 =	simm.s32 @!p0 $0x0  }
0x12: {  	s1 =	sld [smem:$0x3F9B];
	s0 =	simm.s32 @p0 $0x1  }
0x13: {  	[smem:$0x3FB6] =	sst s0;
	s0 =	simm.s32 @!p1 $0x0  }
0x14: {  	s2 =	sld [smem:$0x3F9A];
	s0 =	simm.s32 @p1 $0x1  }
0x15: {  	[smem:$0x3FB7] =	sst s0;
	s0 =	simm.s32 @!p2 $0x0  }
0x16: {  	s3 =	sld [smem:$0x3FDB];
	s0 =	simm.s32 @p2 $0x1  }
0x17: {  	s4 =	simm.s32 $0x1BF5;
	[smem:$0x3FB9] =	sst s0  }
0x18: {  	s0 =	sld [smem:$0x3F9C];
	_ =	swait.ge [sflag:s4], $0x0  }
0x19: {  	s7 =	sld [smem:$0x3F9D]  }
0x1a: {  	s8 =	sadd.s32 $0xFFFFE003, lr  }
0x1b: {  	s9 =	sadd.s32 $0xFFFFFEF7, lr;
	s5 =	simm.s32 $0xFFFFFFFF;
	p2 =	slt.u32 s8, $0xFFFFF086  }
0x1c: {  	p1 =	slt.u32 s9, $0xF7A;
	s5 =	simm.s32 @!p2 $0x0  }
0x1d: {  	s5 =	simm.s32 @p1 $0x1;
	p0 =	seq.s32 s7, s2  }
0x1e: {  	s7 =	smul.u32 @!p0 $0xF7A, s2;
	p2 =	seq.s32 @!p0 s5, $0x0  }
0x1f: {  	s9 =	smul.u32 $0xF7A, s1;
	s8 =	simm.s32 @!p0 $0x1BF5;
	p2 =	por !p2, p0  }
0x20: {  	[sflag:s8] =	ssyncset.s32 @!p0 $0xFFFFF086;
	s6 =	sadd.s32 @!p0 s3, s7;
	s7 =	simm.s32 @!p0 $0x108  }
0x21: {  	s3 =	sadd.s32 s3, s9;
	s6 =	sadd.s32 @!p0 $0x88, s6;
	s7 =	simm.s32 @p2 $0x1082  }
0x22: {  	[simem:s7], [sflag:s8] =	dma.local @!p0 [hbm:s6], $0xF7A  }
0x23: {  	s9 =	sor.u32 $0xD0000000, s2;
	s6 =	simm.s32 $0x108;
	_ =	swait.ge @!p0 [sflag:s8], $0x0  }
0x24: {  	s3 =	sadd.s32 $0x88, s3;
	s6 =	simm.s32 @!p1 $0x1082;
	[sflag:s4] =	ssyncset.s32 $0xFFFFF086  }
0x25: {  	[simem:s6], [sflag:s4] =	dma.local [hbm:s3], $0xF7A  }
0x26: {  	[smem:$0x3F9D] =	sst s1;
	(tag) =	ssettag s2;
	_ =	strace s9  }
0x27: {  	s1 =	sld [smem:$0x3FAD]  }
0x28: {  	s2 =	sld [smem:$0x3FAE]  }
0x29: {  	s4 =	sld [smem:$0x3FB0]  }
0x2a: {  	p0 =	seq.s32 s5, $0x0;
	s5 =	sld [smem:$0x3FB1]  }
0x2b: {  	s6 =	sld [smem:$0x3FB2]  }
0x2c: {  	s7 =	sld [smem:$0x3FB3]  }
0x2d: {  	s3 =	simm.s32 $0x108;
	s8 =	sld [smem:$0x3FB4]  }
0x2e: {  	s3 =	simm.s32 @!p0 $0x1082;
	s9 =	sld [smem:$0x3FB5]  }
0x2f: {  	lr =	sadd.s32 s0, s3;
	s0 =	sld [smem:$0x3FAC]  }
0x30: {  	s3 =	sld [smem:$0x3FAF]  }
0x31: {  	[smem:$0x3FB8] =	sst s10  }
0x32: {  	s10 =	sld [smem:$0x3FB6];
	_ =	sdelay $0x3  }
0x33: {  	p0 =	seq.s32 s10, $0x1;
	s10 =	sld [smem:$0x3FB8];
	_ =	sdelay $0x3  }
0x34: {  	[smem:$0x3FB8] =	sst s10  }
0x35: {  	s10 =	sld [smem:$0x3FB7];
	_ =	sdelay $0x3  }
0x36: {  	p1 =	seq.s32 s10, $0x1;
	s10 =	sld [smem:$0x3FB8];
	_ =	sdelay $0x3  }
0x37: {  	[smem:$0x3FB8] =	sst s10  }
0x38: {  	s10 =	sld [smem:$0x3FB9]  }
0x39: {  	_ = 	snop;
	(pc) =	sbr.ind lr, $3  }
0x3a: {  	_ = 	snop  }
0x3b: {  	_ = 	snop  }
0x3c: {  	p2 =	seq.s32 s10, $0x1;
	s10 =	sld [smem:$0x3FB8]  }
0x3d: {  	_ =	shalt  }
0x3e: {  	_ =	shalt  }
0x3f: {  	_ =	shalt  }
0x40: {  	_ =	shalt  }
0x41: {  	_ =	shalt  }
0x42: {  	_ =	shalt  }
0x43: {  	_ =	shalt  }
0x44: {  	_ =	shalt  }
0x45: {  	_ =	shalt  }
0x46: {  	_ =	shalt  }
0x47: {  	_ =	shalt  }
0x48: {  	_ =	shalt  }
0x49: {  	_ =	shalt  }
0x4a: {  	_ =	shalt  }
0x4b: {  	_ =	shalt  }
0x4c: {  	_ =	shalt  }
0x4d: {  	_ =	shalt  }
0x4e: {  	_ =	shalt  }
0x4f: {  	_ =	shalt  }
0x50: {  	_ =	shalt  }
0x51: {  	_ =	shalt  }
0x52: {  	_ =	shalt  }
0x53: {  	_ =	shalt  }
0x54: {  	_ =	shalt  }
0x55: {  	_ =	shalt  }
0x56: {  	_ =	shalt  }
0x57: {  	_ =	shalt  }
0x58: {  	_ =	shalt  }
0x59: {  	_ =	shalt  }
0x5a: {  	_ =	shalt  }
0x5b: {  	_ =	shalt  }
0x5c: {  	_ =	shalt  }
0x5d: {  	_ =	shalt  }
0x5e: {  	_ =	shalt  }
0x5f: {  	_ =	shalt  }
0x60: {  	_ =	shalt  }
0x61: {  	_ =	shalt  }
0x62: {  	_ =	shalt  }
0x63: {  	_ =	shalt  }
0x64: {  	_ =	shalt  }
0x65: {  	_ =	shalt  }
0x66: {  	_ =	shalt  }
0x67: {  	_ =	shalt  }
0x68: {  	_ =	shalt  }
0x69: {  	_ =	shalt  }
0x6a: {  	_ =	shalt  }
0x6b: {  	_ =	shalt  }
0x6c: {  	_ =	shalt  }
0x6d: {  	_ =	shalt  }
0x6e: {  	_ =	shalt  }
0x6f: {  	_ =	shalt  }
0x70: {  	_ =	shalt  }
0x71: {  	_ =	shalt  }
0x72: {  	_ =	shalt  }
0x73: {  	_ =	shalt  }
0x74: {  	_ =	shalt  }
0x75: {  	_ =	shalt  }
0x76: {  	_ =	shalt  }
0x77: {  	_ =	shalt  }
0x78: {  	_ =	shalt  }
0x79: {  	_ =	shalt  }
0x7a: {  	_ =	shalt  }
0x7b: {  	_ =	shalt  }
0x7c: {  	_ =	shalt  }
0x7d: {  	_ =	shalt  }
0x7e: {  	_ =	shalt  }
0x7f: {  	_ =	shalt  }
0x80: {  	_ =	shalt  }
0x81: {  	_ =	shalt  }
0x82: {  	_ =	shalt  }
0x83: {  	_ =	shalt  }
0x84: {  	_ =	shalt  }
0x85: {  	_ =	shalt  }
0x86: {  	_ =	shalt  }
0x87: {  	_ =	shalt  }
.Lfunc_end0:
.L_simem_size_0:
called_computation_lowered:
.L_overlay_start_0:
0x88: {  	s2 =	sld [smem:$0x3FD9]  }
0x89: {  	s3 =	sld [smem:$0x3FFE];
	_ =	sdelay $0x1  }
0x8a: {  	s1 =	srdreg.scid  }
0x8b: {  	s0 =	sand.u32 $0x1, s1  }
0x8c: {  	s17 =	sshll.u32 s0, $0xA;
	s2 =	sadd.s32 s3, s2  }
0x8d: {  	s2 =	sadd.s32 s2, s17  }
0x8e: {  	[smem:$0x3FC4] =	sst s2  }
0x8f: {  	_ = 	snop  }
0x90: {  	s2 =	sld [smem:$0x3FC9]  }
0x91: {  	s18 =	sld [smem:$0x3FD0];
	(tm) =	ssettm $0x1  }
0x92: {  	s4 =	sld [smem:$0x3FFB];
	_ =	sdelay $0x3  }
0x93: {  	_ =	strace s4  }
0x94: {  	s4 =	sld [smem:$0x3FFC];
	_ =	sdelay $0x3  }
0x95: {  	_ =	strace s4  }
0x96: {  	s4 =	sld [smem:$0x3FFD];
	_ =	sdelay $0x3  }
0x97: {  	_ =	strace s4  }
0x98: {  	_ =	strace $0x8FFFFFFF  }
0x99: {  	s19 =	sld [smem:$0x3FDB];
	_ =	sdelay $0x1  }
0x9a: {  	s5 =	simm.s32 $_scs_section_size  }
0x9b: {  	s6 =	simm.s32 $_size__tile_overlayer_lowered;
	s7 =	simm.s32 $_tile_overlayer_lowered  }
0x9c: {  	s22 =	simm.s32 $0x1BFF;
	s21 =	sshll.u32 s7, $0x1;
	s4 =	sadd.s32 s5, s19  }
0x9d: {  	s8 =	simm.s32 $0x0;
	s20 =	sshll.u32 s6, $0x1;
	s6 =	sadd.s32 s21, s4  }
0x9e: {  	[timem:s8], [sflag:s22] =	dma.local [hbm:s6], s20  }
0x9f: {  	_ =	swait.ge [sflag:s22], s20  }
0xa0: {  	s5 =	ssub.s32 $0x0, s20;
	[sflag:s22] =	ssyncset.done $0x0  }
0xa1: {  	[sflag:s22] =	ssyncadd.s32 s5;
	_ =	sdelay $0x1  }
0xa2: {  	s23 =	simm.s32 $0x1B8B  }
0xa3: {  	_ =	swait.ge [sflag:s23], $0x1  }
0xa4: {  	[sflag:s23] =	ssyncset.done $0x0  }
0xa5: {  	s25 =	simm.s32 $0x1B8E;
	s24 =	sld [smem:$0x3FFE];
	[sflag:s23] =	ssyncadd.s32 $0xFFFFFFFF  }
0xa6: {  	s26 =	simm.s32 $execute0_lowered;
	[smem:$0x3FD2] =	sst s25  }
0xa7: {  	s6 =	sshll.u32 s26, $0x1;
	_ =	strace $0x80000046;
	[dreg:$0x1] =	wrdreg $0xFFFFFFFF  }
0xa8: {  	s28 =	simm.s32 $_size_execute0_lowered;
	s4 =	sadd.s32 s4, s6;
	[dreg:$0x0] =	wrdreg $0x0  }
0xa9: {  	s6 =	sshll.u32 s28, $0x1;
	[dreg:$0x2] =	wrdreg s4  }
0xaa: {  	[dreg:$0x3] =	wrdreg s6  }
0xab: {  	[dreg:$0x4] =	wrdreg $0xC0  }
0xac: {  	_ =	task [dreg:s8], $0x5FFFF  }
0xad: {  	[dreg:$0x1] =	wrdreg $0xFFFFFFFF  }
0xae: {  	[dreg:$0x0] =	wrdreg $0x60  }
0xaf: {  	[dreg:$0x2] =	wrdreg s2  }
0xb0: {  	[dreg:$0x3] =	wrdreg s24  }
0xb1: {  	[dreg:$0x4] =	wrdreg s18  }
0xb2: {  	[dreg:$0x5] =	wrdreg $0x9  }
0xb3: {  	_ =	task.clear_ibuf [dreg:s8], $0x6FFFF;
	_ =	strace $0x90000046  }
0xb4: {  	s29 =	simm.s32 $0x9;
	_ =	strace $0x80000048  }
0xb5: {  	_ =	swait.ge [sflag:s29], $0x1  }
0xb6: {  	[sflag:s29] =	ssyncadd.s32 $0xFFFFFFFF  }
0xb7: {  	_ =	strace $0x90000048  }
0xb8: {  	_ =	sfence  }
0xb9: {  	s30 =	sld [smem:$0x0];
	_ =	sdelay $0x2  }
0xba: {  	s31 =	sshll.u32 s1, $0xD;
	s1 =	sshrl.u32 s1, $0x2  }
0xbb: {  	s3 =	sand.u32 $0x4000, s31;
	s1 =	sadd.s32 s1, s30  }
0xbc: {  	s0 =	sor.u32 s3, s0;
	s1 =	sshll.u32 s1, $0x11  }
0xbd: {  	s0 =	sor.u32 s1, s0  }
0xbe: {  	s0 =	sadd.s32 $0x8F2B, s0  }
0xbf: {  	[sflag:s0] =	ssyncadd.remote.s32 $0x1  }
0xc0: {  	_ =	sfence.sel $0xFFFF  }
0xc1: {  	[dreg:$0x0] =	wrdreg $0xFFFFFFFF;
	(pc) =	sbr.abs _section_cstart, $3  }
0xc2: {  	[dreg:$0x1] =	wrdreg $0xFFFFFFFF  }
0xc3: {  	_ =	task.clear_ibuf [dreg:s8], $0x2FFFF;
	_ =	strace $0x9FFFFFFF  }
0xc4: {  	(tm) =	ssettm $0x7FFFFFFF  }
0xc5: {  	_ =	shalt  }
tec
execute0_lowered:
.L_overlay_start_1:
0x0: {  	(tag) =	ssettag $0x1  }
0x1: {  	s1 =	rddreg [dreg:$0x0];
	s2 =	srdreg.scid  }
0x2: {  	s4 =	rddreg [dreg:$0x1];
	s0 =	stileid.u32  }
0x3: {  	s3 =	simm.s32 $0x0;
	s23 =	simm.s32 $0x80;
	s24 =	simm.s32 $0x900  }
0x4: {  	s25 =	simm.s32 $0x1100;
	s26 =	simm.s32 $0x1900;
	s9 =	simm.s32 $0x1  }
0x5: {  	s10 =	simm.s32 $0x2;
	s13 =	simm.s32 $0x3100;
	s14 =	simm.s32 $0x3900  }
0x6: {  	s15 =	simm.s32 $0x4100;
	s16 =	simm.s32 $0x4900;
	s17 =	simm.s32 $0x5100  }
0x7: {  	s18 =	simm.s32 $0x5900;
	s19 =	simm.s32 $0x3;
	s20 =	simm.s32 $0x4  }
0x8: {  	s28 =	simm.s32 $0x9900;
	s5 =	sand.u32 $0x1, s2;
	s2 =	rddreg [dreg:$0x2]  }
0x9: {  	s29 =	simm.s32 $0xA100;
	s30 =	simm.s32 $0xA900;
	[smem:$0x7FF] =	sst s3  }
0xa: {  	s31 =	simm.s32 $0xB100;
	_ =	strace $0x80000047;
	[dreg:$0x8] =	wrdreg s23  }
0xb: {  	s6 =	sshll.u32 s0, $0x4;
	s4 =	sadd.s32 $0x600, s4;
	[dreg:$0x9] =	wrdreg s24  }
0xc: {  	s7 =	sshll.u32 s5, $0x3;
	s5 =	ssub.s32 $0x2, s5;
	[dreg:$0xa] =	wrdreg s25  }
0xd: {  	[dreg:$0xb] =	wrdreg s26;
	s23 =	simm.s32 $0x7900;
	s24 =	simm.s32 $0x8100  }
0xe: {  	s25 =	simm.s32 $0x8900;
	s26 =	simm.s32 $0x9100;
	s6 =	sor.u32 s7, s6  }
0xf: {  	s7 =	smul.u32 $0x300, s6;
	s8 =	sadd.s32 s4, s6;
	s6 =	sor.u32 $0x4, s6  }
0x10: {  	s22 =	sshrl.u32 s5, $0x1;
	[dreg:$0x4] =	wrdreg s8;
	s21 =	smul.u32 $0x300, s6  }
0x11: {  	s4 =	sadd.s32 s4, s6;
	s6 =	ssub.s32 s5, s22;
	s5 =	sadd.s32 $0x200, s2  }
0x12: {  	s8 =	simm.s32 $0x6100;
	s22 =	simm.s32 $0x7100;
	s7 =	sadd.s32 s1, s7  }
0x13: {  	v2 =	vlaneseq.u32;
	[dreg:$0x6] =	wrdreg s4;
	s4 =	sadd.s32 $0x100, s2;
	s6 =	smax.u32 s6, $0x1  }
0x14: {  	vm0 =	vmmov $0xffff;
	v1 =	vshrl.u32 v2, $0x3;
	[dreg:$0x5] =	wrdreg s7;
	s1 =	sadd.s32 s1, s21;
	s7 =	simm.s32 $0x100  }
0x15: {  	v0 =	vand.u32 $0x7, v2;
	v2 =	vor.u32 $0x8, v2;
	v1 =	vmul.u32 $0x8, v1;
	s21 =	simm.s32 $0x6900;
	[dreg:$0x7] =	wrdreg s1;
	s1 =	simm.s32 $0xB900  }
.LBB2_1:
0x16: {  	s0 =	rddreg [dreg:$0x4]  }
0x17: {  	s11 =	rddreg [dreg:$0x6]  }
0x18: {  	[tilespmem:s3], [sflag:$0x1] =	stream.linear.gather [hbm4b:s0+s3], $0x20, $0x38;
	[tilespmem:$0xC100] =	vst v63  }
0x19: {  	s0 =	rddreg [dreg:$0x5]  }
0x1a: {  	[tilespmem:s7], [sflag:$0x2] =	stream.linear.gather [hbm4b:s0+s3], $0x6000, $0x38;
	[tilespmem:$0xC100] =	vst v63  }
0x1b: {  	s12 =	rddreg [dreg:$0x8]  }
0x1c: {  	[tilespmem:s12], [sflag:$0x3] =	stream.linear.gather [hbm4b:s11+s3], $0x20, $0x38;
	[tilespmem:$0xC100] =	vst v63  }
0x1d: {  	s0 =	rddreg [dreg:$0x7]  }
0x1e: {  	[tilespmem:s8], [sflag:$0x4] =	stream.linear.gather [hbm4b:s0+s3], $0x6000, $0x38;
	[tilespmem:$0xC100] =	vst v63  }
0x1f: {  	_ =	swait.ge [sflag:s9], $0x20  }
0x20: {  	[sflag:s9] =	ssyncset.done $0x0  }
0x21: {  	[sflag:s9] =	ssyncadd.s32 $0xFFFFFFE0  }
0x22: {  	_ =	swait.ge [sflag:s10], $0x6000  }
0x23: {  	[sflag:s10] =	ssyncset.done $0x0  }
0x24: {  	[sflag:s10] =	ssyncadd.s32 $0xFFFFA000  }
0x25: {  	v3 =	vld [tilespmem:$0x0];
	_ =	sdelay $0x4  }
0x26: {  	v4 =	vshrl.u32 v3, $0x3  }
0x27: {  	v4 =	vmul.u32 $0x30, v4  }
0x28: {  	v3 =	vand.u32 $0x7, v3  }
0x29: {  	v3 =	vor.u32 v3, v4  }
0x2a: {  	v4 =	vperm.xlane v3, v0;
	_ =	sdelay $0x1  }
0x2b: {  	v4 =	vadd.s32 v1, v4;
	_ =	sdelay $0x3  }
0x2c: {  	v3 =	vperm.xlane v3, v2  }
0x2d: {  	[hbm4b:s2+s3] =	stream.indirect_vreg.scatter [tilespmem:s7], [sflag:$0x1], $0x80, v4, vm0, $0xb8;
	[tilespmem:$0xC100] =	vst v63  }
0x2e: {  	s12 =	rddreg [dreg:$0x9];
	v3 =	vadd.s32 v1, v3  }
0x2f: {  	[hbm4b:s4+s3] =	stream.indirect_vreg.scatter [tilespmem:s12], [sflag:$0x1], $0x80, v4, vm0, $0xb8;
	[tilespmem:$0xC100] =	vst v63  }
0x30: {  	s11 =	rddreg [dreg:$0xa]  }
0x31: {  	[hbm4b:s5+s3] =	stream.indirect_vreg.scatter [tilespmem:s11], [sflag:$0x1], $0x80, v4, vm0, $0xb8;
	[tilespmem:$0xC100] =	vst v63  }
0x32: {  	s12 =	rddreg [dreg:$0xb]  }
0x33: {  	[hbm4b:s2+s3] =	stream.indirect_vreg.scatter [tilespmem:s12], [sflag:$0x1], $0x80, v3, vm0, $0xb8;
	[tilespmem:$0xC100] =	vst v63  }
0x34: {  	s11 =	simm.s32 $0x2100  }
0x35: {  	[hbm4b:s4+s3] =	stream.indirect_vreg.scatter [tilespmem:s11], [sflag:$0x1], $0x80, v3, vm0, $0xb8;
	[tilespmem:$0xC100] =	vst v63  }
0x36: {  	s12 =	simm.s32 $0x2900  }
0x37: {  	[hbm4b:s5+s3] =	stream.indirect_vreg.scatter [tilespmem:s12], [sflag:$0x1], $0x80, v3, vm0, $0xb8;
	[tilespmem:$0xC100] =	vst v63  }
0x38: {  	v3 =	vld [tilespmem:$0x10];
	_ =	sdelay $0x4  }
0x39: {  	v61 =	vshrl.u32 v3, $0x3  }
0x3a: {  	v4 =	vmul.u32 $0x30, v61  }
0x3b: {  	v3 =	vand.u32 $0x7, v3  }
0x3c: {  	v3 =	vor.u32 v3, v4  }
0x3d: {  	v4 =	vperm.xlane v3, v0;
	_ =	sdelay $0x1  }
0x3e: {  	v4 =	vadd.s32 v1, v4;
	_ =	sdelay $0x3  }
0x3f: {  	v3 =	vperm.xlane v3, v2  }
0x40: {  	[hbm4b:s2+s3] =	stream.indirect_vreg.scatter [tilespmem:s13], [sflag:$0x1], $0x80, v4, vm0, $0xb8;
	[tilespmem:$0xC100] =	vst v63  }
0x41: {  	v3 =	vadd.s32 v1, v3  }
0x42: {  	[hbm4b:s4+s3] =	stream.indirect_vreg.scatter [tilespmem:s14], [sflag:$0x1], $0x80, v4, vm0, $0xb8;
	[tilespmem:$0xC100] =	vst v63  }
0x43: {  	_ = 	snop  }
0x44: {  	[hbm4b:s5+s3] =	stream.indirect_vreg.scatter [tilespmem:s15], [sflag:$0x1], $0x80, v4, vm0, $0xb8;
	[tilespmem:$0xC100] =	vst v63  }
0x45: {  	_ = 	snop  }
0x46: {  	[hbm4b:s2+s3] =	stream.indirect_vreg.scatter [tilespmem:s16], [sflag:$0x1], $0x80, v3, vm0, $0xb8;
	[tilespmem:$0xC100] =	vst v63  }
0x47: {  	_ = 	snop  }
0x48: {  	[hbm4b:s4+s3] =	stream.indirect_vreg.scatter [tilespmem:s17], [sflag:$0x1], $0x80, v3, vm0, $0xb8;
	[tilespmem:$0xC100] =	vst v63  }
0x49: {  	_ = 	snop  }
0x4a: {  	[hbm4b:s5+s3] =	stream.indirect_vreg.scatter [tilespmem:s18], [sflag:$0x1], $0x80, v3, vm0, $0xb8;
	[tilespmem:$0xC100] =	vst v63  }
0x4b: {  	_ =	swait.ge [sflag:s19], $0x20  }
0x4c: {  	[sflag:s19] =	ssyncset.done $0x0  }
0x4d: {  	[sflag:s19] =	ssyncadd.s32 $0xFFFFFFE0  }
0x4e: {  	_ =	swait.ge [sflag:s20], $0x6000  }
0x4f: {  	[sflag:s20] =	ssyncset.done $0x0  }
0x50: {  	[sflag:s20] =	ssyncadd.s32 $0xFFFFA000  }
0x51: {  	v3 =	vld [tilespmem:$0x80];
	_ =	sdelay $0x4  }
0x52: {  	v62 =	vshrl.u32 v3, $0x3  }
0x53: {  	v4 =	vmul.u32 $0x30, v62  }
0x54: {  	v3 =	vand.u32 $0x7, v3  }
0x55: {  	v3 =	vor.u32 v3, v4  }
0x56: {  	v4 =	vperm.xlane v3, v0;
	_ =	sdelay $0x1  }
0x57: {  	v4 =	vadd.s32 v1, v4;
	_ =	sdelay $0x3  }
0x58: {  	v3 =	vperm.xlane v3, v2  }
0x59: {  	[hbm4b:s2+s3] =	stream.indirect_vreg.scatter [tilespmem:s8], [sflag:$0x2], $0x80, v4, vm0, $0xb8;
	[tilespmem:$0xC100] =	vst v63  }
0x5a: {  	v3 =	vadd.s32 v1, v3  }
0x5b: {  	[hbm4b:s4+s3] =	stream.indirect_vreg.scatter [tilespmem:s21], [sflag:$0x2], $0x80, v4, vm0, $0xb8;
	[tilespmem:$0xC100] =	vst v63  }
0x5c: {  	_ = 	snop  }
0x5d: {  	[hbm4b:s5+s3] =	stream.indirect_vreg.scatter [tilespmem:s22], [sflag:$0x2], $0x80, v4, vm0, $0xb8;
	[tilespmem:$0xC100] =	vst v63  }
0x5e: {  	_ = 	snop  }
0x5f: {  	[hbm4b:s2+s3] =	stream.indirect_vreg.scatter [tilespmem:s23], [sflag:$0x2], $0x80, v3, vm0, $0xb8;
	[tilespmem:$0xC100] =	vst v63  }
0x60: {  	_ = 	snop  }
0x61: {  	[hbm4b:s4+s3] =	stream.indirect_vreg.scatter [tilespmem:s24], [sflag:$0x2], $0x80, v3, vm0, $0xb8;
	[tilespmem:$0xC100] =	vst v63  }
0x62: {  	_ = 	snop  }
0x63: {  	[hbm4b:s5+s3] =	stream.indirect_vreg.scatter [tilespmem:s25], [sflag:$0x2], $0x80, v3, vm0, $0xb8;
	[tilespmem:$0xC100] =	vst v63  }
0x64: {  	v3 =	vld [tilespmem:$0x90];
	_ =	sdelay $0x4  }
0x65: {  	v63 =	vshrl.u32 v3, $0x3  }
0x66: {  	v4 =	vmul.u32 $0x30, v63  }
0x67: {  	v3 =	vand.u32 $0x7, v3  }
0x68: {  	v3 =	vor.u32 v3, v4  }
0x69: {  	v4 =	vperm.xlane v3, v0;
	_ =	sdelay $0x1  }
0x6a: {  	v4 =	vadd.s32 v1, v4;
	_ =	sdelay $0x3  }
0x6b: {  	v3 =	vperm.xlane v3, v2  }
0x6c: {  	[hbm4b:s2+s3] =	stream.indirect_vreg.scatter [tilespmem:s26], [sflag:$0x2], $0x80, v4, vm0, $0xb8;
	[tilespmem:$0xC100] =	vst v63  }
0x6d: {  	v3 =	vadd.s32 v1, v3  }
0x6e: {  	[hbm4b:s4+s3] =	stream.indirect_vreg.scatter [tilespmem:s28], [sflag:$0x2], $0x80, v4, vm0, $0xb8;
	[tilespmem:$0xC100] =	vst v63  }
0x6f: {  	_ = 	snop  }
0x70: {  	[hbm4b:s5+s3] =	stream.indirect_vreg.scatter [tilespmem:s29], [sflag:$0x2], $0x80, v4, vm0, $0xb8;
	[tilespmem:$0xC100] =	vst v63  }
0x71: {  	_ = 	snop  }
0x72: {  	[hbm4b:s2+s3] =	stream.indirect_vreg.scatter [tilespmem:s30], [sflag:$0x2], $0x80, v3, vm0, $0xb8;
	[tilespmem:$0xC100] =	vst v63  }
0x73: {  	_ = 	snop  }
0x74: {  	[hbm4b:s4+s3] =	stream.indirect_vreg.scatter [tilespmem:s31], [sflag:$0x2], $0x80, v3, vm0, $0xb8;
	[tilespmem:$0xC100] =	vst v63  }
0x75: {  	_ = 	snop  }
0x76: {  	[hbm4b:s5+s3] =	stream.indirect_vreg.scatter [tilespmem:s1], [sflag:$0x2], $0x80, v3, vm0, $0xb8;
	[tilespmem:$0xC100] =	vst v63  }
0x77: {  	p0 =	sne.s32 s6, $0x1;
	_ =	swait.ge [sflag:s9], $0x6000  }
.Ltmp0:
0x78: {  	[sflag:s9] =	ssyncset.done $0x0;
	(pc) =	sbr.rel @p0 .LBB2_1-.Ltmp0, $4  }
0x79: {  	[sflag:s9] =	ssyncadd.s32 $0xFFFFA000  }
0x7a: {  	_ =	swait.ge [sflag:s10], $0x6000  }
0x7b: {  	[sflag:s10] =	ssyncset.done $0x0  }
0x7c: {  	s6 =	sadd.s32 $0xFFFFFFFF, s6;
	[sflag:s10] =	ssyncadd.s32 $0xFFFFA000  }
0x7d: {  	_ =	sfence.sel $0x180000  }
0x7e: {  	[bflag:$0x0] =	sbarrier.arrive $0xFFFF  }
0x7f: {  	_ =	strace $0x90000047  }
0x80: {  	s0 =	stileid.u32;
	[bflag:$0x2] =	sbarrier.arrive $0xFFFF  }
0x81: {  	p0 =	sne.s32 s0, $0x0;
	s0 =	rddreg [dreg:$0x3]  }
0x82: {  	s0 =	sadd.s32 @!p0 $0x100000, s0  }
0x83: {  	[sflag:s0] =	ssyncadd.tile.s32 @!p0 $0x1;
	_ =	shalt  }
.Lfunc_end2:
_tile_overlayer_lowered:
.L_overlay_start_2:
0x84: {  	(tag) =	ssettag $0x2  }
0x85: {  	s0 =	rddreg [dreg:$0x0];
	s2 =	stileid.u32  }
0x86: {  	s1 =	rddreg [dreg:$0x1];
	p0 =	sne.s32 s2, $0x0  }
0x87: {  	s3 =	rddreg [dreg:$0x2];
	[bflag:$0x3] =	sbarrier.arrive $0xFFFF;
	s2 =	simm.s32 @!p0 $0x1C05  }
0x88: {  	[timem:s3], [sflag:s2] =	dma.local @!p0 [hbm:s0], s1  }
0x89: {  	s0 =	simm.s32 @!p0 $0x5  }
0x8a: {  	_ =	swait.ge @!p0 [sflag:s0], s1  }
0x8b: {  	s1 =	ssub.s32 @!p0 $0x0, s1;
	[sflag:s0] =	ssyncset.done @!p0 $0x0  }
0x8c: {  	[sflag:s0] =	ssyncadd.s32 @!p0 s1  }
0x8d: {  	[bflag:$0x3] =	sbarrier.arrive $0xFFFF  }
0x8e: {  	_ =	shalt  }

</sc_bundles>
